<compile_context>
chip_gen: v7x
topology: tpu7x:2x2x1
jax: 0.10.2.dev20260603
libtpu: 0.0.44.dev20260713+nightly
codegen_flags: <defaults>
</compile_context>

<pallas_src>
import functools

import jax
import jax.numpy as jnp
from jax import lax
from jax.experimental import pallas as pl
from jax.experimental.pallas import tpu as pltpu

NUM_CLASSES = 19
K = 40
DIM = 64
TEMP = 0.1
BASE_TEMP = 2.0
LAMB = 25.0
MU = 0.9999
IGNORE = 255
SINKHORN_ITERS = 25
CK = NUM_CLASSES * K
CKP = 768

BLK = 1024


def _k1_body(cc_ref, x_ref, yhat_ref, y_ref,
             pt_ref, phi_ref, cls_ref, w_ref, xn_ref):
    x = x_ref[...]
    nrm = jnp.sqrt(jnp.sum(x * x, axis=1, keepdims=True))
    xn = x / jnp.maximum(nrm, 1e-12)
    xn_ref[...] = xn

    yhat = yhat_ref[...]
    y = y_ref[...]
    valid = (yhat != IGNORE) & (y != IGNORE)
    cls = jnp.where(valid, yhat, 0).astype(jnp.int32)
    cls_ref[...] = cls
    w_ref[...] = valid.astype(jnp.float32)

    cc = cc_ref[...]
    sT = lax.dot_general(cc, xn, (((1,), (1,)), ((), ())),
                         preferred_element_type=jnp.float32)

    row = lax.broadcasted_iota(jnp.int32, (CKP, BLK), 0)
    live = row < CK
    sm = jnp.where(live, sT, -1e30)
    m = jnp.max(sm, axis=0, keepdims=True)
    e = jnp.where(live, jnp.exp((sm - m) * (1.0 / TEMP)), 0.0)
    lse = m * (1.0 / TEMP) + jnp.log(jnp.sum(e, axis=0, keepdims=True))

    acc = jnp.zeros((K, BLK), jnp.float32)
    for c in range(NUM_CLASSES):
        mc = (cls == c).astype(jnp.float32)
        acc = acc + mc * lax.slice(sT, (c * K, 0), (c * K + K, BLK))
    mk = jnp.max(acc, axis=0, keepdims=True)
    ek = jnp.exp(acc - mk)
    ps = ek / jnp.sum(ek, axis=0, keepdims=True)
    lp = LAMB * jnp.log(ps + 1e-12)
    lp = lp - jnp.max(lp, axis=0, keepdims=True)
    pt_ref[...] = jnp.exp(lp)
    phi_ref[...] = acc * (1.0 / TEMP) - lse


def _k2_body(pt_ref, phi_ref, cls_ref, w_ref,
             sub_ref, cnt_ref, loss_ref):
    M = pt_ref.shape[1]
    P = pt_ref[...]
    cls = cls_ref[...]
    w = w_ref[...]

    oh = (lax.broadcasted_iota(jnp.int32, (NUM_CLASSES, M), 0)
          == cls).astype(jnp.float32)
    counts = jnp.sum(oh, axis=1, keepdims=True)
    inv_n = 1.0 / jnp.maximum(counts, 1.0)
    inv_n_row = jnp.sum(oh * inv_n, axis=0, keepdims=True)
    inv_k = jnp.float32(1.0 / K)

    def it(_, carry):
        c, _rT = carry
        ohc = oh * c
        colT = lax.dot_general(P, ohc, (((1,), (1,)), ((), ())),
                               preferred_element_type=jnp.float32)
        rT = inv_k / jnp.maximum(colT, 1e-30)
        rg = lax.dot_general(rT, oh, (((1,), (0,)), ((), ())),
                             preferred_element_type=jnp.float32)
        rows = jnp.sum(P * rg, axis=0, keepdims=True)
        c2 = inv_n_row / jnp.maximum(rows, 1e-30)
        return (c2, rT)

    c0 = inv_n_row
    rT0 = jnp.full((K, NUM_CLASSES), inv_k, jnp.float32)
    c, rT = lax.fori_loop(0, SINKHORN_ITERS, it, (c0, rT0))

    rg = lax.dot_general(rT, oh, (((1,), (0,)), ((), ())),
                         preferred_element_type=jnp.float32)
    a = P * c * rg
    ma = jnp.max(a, axis=0, keepdims=True)
    i40 = lax.broadcasted_iota(jnp.int32, (K, M), 0)
    L = jnp.min(jnp.where(a == ma, i40, K), axis=0, keepdims=True)
    sub_ref[...] = cls * K + L

    ohk = (i40 == L).astype(jnp.float32)
    cnt_ref[...] = lax.dot_general(oh, ohk, (((1,), (1,)), ((), ())),
                                   preferred_element_type=jnp.float32)

    pos = jnp.sum(ohk * phi_ref[...], axis=0, keepdims=True)
    num = jnp.sum(pos * w, axis=1, keepdims=True)
    wsum = jnp.sum(w, axis=1, keepdims=True)
    loss_ref[...] = -(TEMP / BASE_TEMP) * num / jnp.maximum(wsum, 1.0)


def _k4_body(s0_ref, s1_ref, cnt_ref, cc_ref, out_ref):
    s = s0_ref[...] + s1_ref[...]
    nc = s / jnp.maximum(cnt_ref[...], 1.0)
    up = MU * cc_ref[...] + (1.0 - MU) * nc
    nrm = jnp.sqrt(jnp.sum(up * up, axis=1, keepdims=True))
    out_ref[...] = up / jnp.maximum(nrm, 1e-12)


def _make_sc_scatter(M):
    from jax.experimental.pallas import tpu_sc as plsc

    info = plsc.get_sparse_core_info()
    nc, ns = info.num_cores, info.num_subcores
    nw = nc * ns
    rows_per_tile = M // nw
    CH = 256
    n_chunks = rows_per_tile // CH
    JB = CH // 128
    IDXR = rows_per_tile // 128

    mesh = plsc.VectorSubcoreMesh(core_axis_name="c", subcore_axis_name="s")

    @functools.partial(
        pl.kernel, mesh=mesh,
        out_type=jax.ShapeDtypeStruct((nc, CK, DIM), jnp.float32),
        scratch_types=[
            pltpu.VMEM((CH, DIM), jnp.float32),
            pltpu.VMEM((IDXR, 128), jnp.int32),
            pltpu.VMEM_SHARED((CK, DIM), jnp.float32),
        ],
    )
    def sc_scatter(xn_hbm, sub_hbm, zeros_hbm, out_hbm, data_v, idx_v, shared):
        cid = lax.axis_index("c")
        sid = lax.axis_index("s")
        wid = cid * ns + sid

        @pl.when(sid == 0)
        def _():
            pltpu.sync_copy(zeros_hbm, shared)

        base0 = pl.multiple_of(wid * rows_per_tile, rows_per_tile)
        pltpu.sync_copy(sub_hbm.at[pl.ds(pl.multiple_of(base0 // 128, IDXR),
                                         IDXR)], idx_v)
        plsc.subcore_barrier()

        for t in range(n_chunks):
            base = pl.multiple_of(wid * rows_per_tile + t * CH, CH)
            pltpu.sync_copy(xn_hbm.at[pl.ds(base, CH)], data_v)
            for j in range(JB):
                pltpu.sync_copy(data_v.at[pl.ds(j * 128, 128)],
                                shared.at[idx_v.at[t * JB + j]], add=True)

        plsc.subcore_barrier()

        @pl.when(sid == 0)
        def _():
            pltpu.sync_copy(shared, out_hbm.at[cid])

    return sc_scatter


def kernel(feats, labels, predict, cluster_center):
    B, N, D = feats.shape
    M = B * N
    x = feats.reshape(M, D)
    yhat = predict.reshape(1, M).astype(jnp.int32)
    y = labels.reshape(1, M).astype(jnp.int32)
    cc_flat = cluster_center.reshape(CK, D)
    cc_pad = jnp.pad(cc_flat, ((0, CKP - CK), (0, 0)))

    nblk = M // BLK
    pt, phi, clsr, wr, xn = pl.pallas_call(
        _k1_body,
        grid=(nblk,),
        in_specs=[
            pl.BlockSpec((CKP, D), lambda i: (0, 0)),
            pl.BlockSpec((BLK, D), lambda i: (i, 0)),
            pl.BlockSpec((1, BLK), lambda i: (0, i)),
            pl.BlockSpec((1, BLK), lambda i: (0, i)),
        ],
        out_specs=[
            pl.BlockSpec((K, BLK), lambda i: (0, i)),
            pl.BlockSpec((K, BLK), lambda i: (0, i)),
            pl.BlockSpec((1, BLK), lambda i: (0, i)),
            pl.BlockSpec((1, BLK), lambda i: (0, i)),
            pl.BlockSpec((BLK, D), lambda i: (i, 0)),
        ],
        out_shape=[
            jax.ShapeDtypeStruct((K, M), jnp.float32),
            jax.ShapeDtypeStruct((K, M), jnp.float32),
            jax.ShapeDtypeStruct((1, M), jnp.int32),
            jax.ShapeDtypeStruct((1, M), jnp.float32),
            jax.ShapeDtypeStruct((M, D), jnp.float32),
        ],
    )(cc_pad, x, yhat, y)

    sub_r, cnts, loss = pl.pallas_call(
        _k2_body,
        grid=(1,),
        in_specs=[
            pl.BlockSpec((K, M), lambda i: (0, 0)),
            pl.BlockSpec((K, M), lambda i: (0, 0)),
            pl.BlockSpec((1, M), lambda i: (0, 0)),
            pl.BlockSpec((1, M), lambda i: (0, 0)),
        ],
        out_specs=[
            pl.BlockSpec((1, M), lambda i: (0, 0)),
            pl.BlockSpec((NUM_CLASSES, K), lambda i: (0, 0)),
            pl.BlockSpec((1, 1), lambda i: (0, 0)),
        ],
        out_shape=[
            jax.ShapeDtypeStruct((1, M), jnp.int32),
            jax.ShapeDtypeStruct((NUM_CLASSES, K), jnp.float32),
            jax.ShapeDtypeStruct((1, 1), jnp.float32),
        ],
    )(pt, phi, clsr, wr)

    sub2d = sub_r.reshape(M // 128, 128)
    zeros = jnp.zeros((CK, DIM), jnp.float32)
    sums2 = _make_sc_scatter(M)(xn, sub2d, zeros)

    cnt_col = cnts.reshape(CK, 1)
    updated = pl.pallas_call(
        _k4_body,
        grid=(1,),
        in_specs=[
            pl.BlockSpec((CK, D), lambda i: (0, 0)),
            pl.BlockSpec((CK, D), lambda i: (0, 0)),
            pl.BlockSpec((CK, 1), lambda i: (0, 0)),
            pl.BlockSpec((CK, D), lambda i: (0, 0)),
        ],
        out_specs=pl.BlockSpec((CK, D), lambda i: (0, 0)),
        out_shape=jax.ShapeDtypeStruct((CK, D), jnp.float32),
    )(sums2[0], sums2[1], cnt_col, cc_flat)

    return loss[0, 0], updated.reshape(NUM_CLASSES, K, DIM)

# --- scband reference (transcript-rebuilt; emitter-appended) ---
"""Pipeline reference for scband-cluster-contrast-loss-76605036691949 (READ-ONLY COPY).

The authoritative reference and input builder live on the scoring server;
editing this copy changes nothing except your own understanding.
"""

import jax, jax.numpy as jnp
import numpy as np

NUM_CLASSES = 19
K = 40
DIM = 64
TEMP = 0.1
BASE_TEMP = 2.0
LAMB = 25.0
MU = 0.9999
IGNORE = 255
SINKHORN_ITERS = 25


def _sinkhorn_assign(PS, cls_ids):
    # Sinkhorn-Knopp (online_clustering) run jointly over all classes via segment ops.
    # log-space stabilization of PS**LAMB (torch uses float64; jax default is float32).
    logP = LAMB * jnp.log(PS + 1e-12)
    logP = logP - jnp.max(logP, axis=1, keepdims=True)
    P = jnp.exp(logP)
    M = P.shape[0]
    counts = jax.ops.segment_sum(jnp.ones((M,), dtype=P.dtype), cls_ids, num_segments=NUM_CLASSES)
    inv_N = 1.0 / jnp.maximum(counts, 1.0)
    inv_K = 1.0 / K
    c = inv_N[cls_ids][:, None]
    r = jnp.full((NUM_CLASSES, K), inv_K, dtype=P.dtype)
    for _ in range(SINKHORN_ITERS):
        colsum = jax.ops.segment_sum(P * c, cls_ids, num_segments=NUM_CLASSES)
        r = inv_K / jnp.maximum(colsum, 1e-30)
        rowsum = jnp.sum(P * r[cls_ids], axis=1, keepdims=True)
        c = inv_N[cls_ids][:, None] / jnp.maximum(rowsum, 1e-30)
    L = jnp.argmax(P * c * r[cls_ids], axis=1)
    return L


def _forward(feats, cluster_center, labels, predict):
    B, N, D = feats.shape
    x = feats.reshape(-1, D)
    x = x / jnp.maximum(jnp.linalg.norm(x, axis=1, keepdims=True), 1e-12)
    y_hat = predict.reshape(-1)
    y = labels.reshape(-1)
    valid = (y_hat != IGNORE) & (y != IGNORE)
    cls = jnp.where(valid, y_hat, 0).astype(jnp.int32)
    CK = NUM_CLASSES * K
    cc_flat = cluster_center.reshape(CK, D)
    # scores of every pixel against every (class, subcluster) center
    scores_all = x @ cc_flat.T
    # gather the K-column block belonging to each pixel's predicted class
    col_idx = cls[:, None] * K + jnp.arange(K, dtype=jnp.int32)[None, :]
    scores_cls = jnp.take_along_axis(scores_all, col_idx, axis=1)
    PS = jax.nn.softmax(scores_cls, axis=1)
    L = _sinkhorn_assign(jax.lax.stop_gradient(PS), cls)
    sub = cls * K + L.astype(jnp.int32)
    # scatter_mean -> new_cluster_center (detached in torch)
    xs = jax.lax.stop_gradient(x)
    sums = jax.ops.segment_sum(xs, sub, num_segments=CK)
    cnts = jax.ops.segment_sum(jnp.ones((xs.shape[0],), dtype=xs.dtype), sub, num_segments=CK)
    new_center = sums / jnp.maximum(cnts, 1.0)[:, None]
    # EMA update (_update_operations), detached
    updated = MU * jax.lax.stop_gradient(cc_flat) + (1.0 - MU) * new_center
    updated = updated / jnp.maximum(jnp.linalg.norm(updated, axis=1, keepdims=True), 1e-12)
    # subcluster-supervised contrastive loss against all centers
    logits = scores_all / TEMP
    logprob = logits - jax.nn.logsumexp(logits, axis=1, keepdims=True)
    pos = jnp.take_along_axis(logprob, sub[:, None], axis=1)[:, 0]
    w = valid.astype(x.dtype)
    loss = -(TEMP / BASE_TEMP) * jnp.sum(pos * w) / jnp.maximum(jnp.sum(w), 1.0)
    return loss, updated.reshape(NUM_CLASSES, K, DIM)


def setup_inputs(seed: int = 0):
    key = jax.random.key(seed)
    k1, k2, k3, k4 = jax.random.split(key, 4)
    B, N = 4, 16384
    feats = jax.random.normal(k1, (B, N, DIM), dtype=jnp.float32)
    predict = jax.random.randint(k2, (B, N), 0, NUM_CLASSES)
    labels = jax.random.randint(k3, (B, N), 0, NUM_CLASSES)
    cc = jax.random.normal(k4, (NUM_CLASSES, K, DIM), dtype=jnp.float32)
    cc = cc / jnp.maximum(jnp.linalg.norm(cc, axis=2, keepdims=True), 1e-12)
    return {"feats": feats, "labels": labels, "predict": predict, "cluster_center": cc}


def reference(feats, labels, predict, cluster_center):
    return _forward(feats, cluster_center, labels, predict)

if __name__ == "__main__":
    import jax
    _d = setup_inputs()
    print(jax.jit(kernel)(*tuple(_d.values())))

</pallas_src>

<mosaic_0001>
#map = affine_map<(d0, d1) -> (0, 0)>
#map1 = affine_map<(d0, d1) -> (0, 0, 0)>
module attributes {stable_mosaic.version = 14 : i64} {
  func.func @sc_scatter(%arg0: i32, %arg1: i32, %arg2: memref<65536x64xf32, #tpu.memory_space<hbm>>, %arg3: memref<512x128xi32, #tpu.memory_space<hbm>>, %arg4: memref<760x64xf32, #tpu.memory_space<hbm>>, %arg5: memref<2x760x64xf32, #tpu.memory_space<hbm>>, %arg6: memref<256x64xf32, #tpu.memory_space<vmem>>, %arg7: memref<16x128xi32, #tpu.memory_space<vmem>>, %arg8: memref<760x64xf32, #tpu.memory_space<vmem_shared>>) attributes {dimension_semantics = [#tpu.dimension_semantics<core_parallel>, #tpu.dimension_semantics<subcore_parallel>], iteration_bounds = array<i64: 2, 16>, scalar_prefetch = 0 : i64, scratch_operands = 3 : i64, tpu.core_type = #tpu.core_type<sc_vector_subcore>, window_params = [{transform_indices = #map}, {transform_indices = #map}, {transform_indices = #map}, {transform_indices = #map1}]} {
    %mul3A = arith.constant 16 : i32
    %mul3A_0 = arith.muli %arg0, %mul3A : i32
    %add3A = arith.addi %mul3A_0, %arg1 : i32
    %eq3A = arith.constant 0 : i32
    %eq3A_1 = arith.cmpi eq, %arg1, %eq3A : i32
    %convert_element_type3A = arith.extui %eq3A_1 : i1 to i32
    %cond3A = arith.constant 0 : i32
    %cond3A_2 = arith.cmpi ne, %convert_element_type3A, %cond3A : i32
    scf.if %cond3A_2 {
      "tpu.region"() ({
        %run_scoped3A_83 = tpu.sem_alloc : memref<!tpu.dma_semaphore, #tpu.memory_space<semaphore_mem>>
        tpu.enqueue_dma source(%arg4 : memref<760x64xf32, #tpu.memory_space<hbm>>) target(%arg8 : memref<760x64xf32, #tpu.memory_space<vmem_shared>>) target_semaphore(%run_scoped3A_83 : memref<!tpu.dma_semaphore, #tpu.memory_space<semaphore_mem>>)
        tpu.wait_dma2 semaphore(%run_scoped3A_83 : memref<!tpu.dma_semaphore, #tpu.memory_space<semaphore_mem>>) src(%arg4 : memref<760x64xf32, #tpu.memory_space<hbm>>) dst(%arg8 : memref<760x64xf32, #tpu.memory_space<vmem_shared>>)
        tpu.yield
      }) : () -> ()
    } else {
    }
    %mul3A_3 = arith.constant 2048 : i32
    %mul3A_4 = arith.muli %add3A, %mul3A_3 : i32
    %multiple_of3A = tpu.assume_multiple %mul3A_4, 2048 : i32
    %jit3A = arith.constant 128 : i32
    %div3A = arith.divsi %multiple_of3A, %jit3A : i32
    %sign3A = arith.constant 0 : i32
    %sign3A_5 = arith.cmpi sgt, %multiple_of3A, %sign3A : i32
    %sign3A_6 = arith.extui %sign3A_5 : i1 to i32
    %sign3A_7 = arith.constant 0 : i32
    %sign3A_8 = arith.cmpi slt, %multiple_of3A, %sign3A_7 : i32
    %sign3A_9 = arith.extui %sign3A_8 : i1 to i32
    %sign3A_10 = arith.subi %sign3A_6, %sign3A_9 : i32
    %sign3A_11 = arith.constant 0 : i32
    %sign3A_12 = arith.cmpi sgt, %jit3A, %sign3A_11 : i32
    %sign3A_13 = arith.extui %sign3A_12 : i1 to i32
    %sign3A_14 = arith.constant 0 : i32
    %sign3A_15 = arith.cmpi slt, %jit3A, %sign3A_14 : i32
    %sign3A_16 = arith.extui %sign3A_15 : i1 to i32
    %sign3A_17 = arith.subi %sign3A_13, %sign3A_16 : i32
    %ne3A = arith.cmpi ne, %sign3A_10, %sign3A_17 : i32
    %rem3A = arith.remsi %multiple_of3A, %jit3A : i32
    %ne3A_18 = arith.constant 0 : i32
    %ne3A_19 = arith.cmpi ne, %rem3A, %ne3A_18 : i32
    %and3A = arith.andi %ne3A, %ne3A_19 : i1
    %sub3A = arith.constant 1 : i32
    %sub3A_20 = arith.subi %div3A, %sub3A : i32
    %select_n3A = arith.select %and3A, %sub3A_20, %div3A : i32
    %multiple_of3A_21 = tpu.assume_multiple %select_n3A, 16 : i32
    "tpu.region"() ({
      %run_scoped3A_83 = tpu.sem_alloc : memref<!tpu.dma_semaphore, #tpu.memory_space<semaphore_mem>>
      %dma_start3A = arith.constant 0 : i32
      %dma_start3A_84 = tpu.memref_slice %arg3[%multiple_of3A_21, %dma_start3A] : memref<512x128xi32, #tpu.memory_space<hbm>> -> memref<16x128xi32, #tpu.memory_space<hbm>>
      %dma_start3A_85 = arith.constant 0 : i32
      %dma_start3A_86 = tpu.memref_slice %arg3[%multiple_of3A_21, %dma_start3A_85] : memref<512x128xi32, #tpu.memory_space<hbm>> -> memref<16x128xi32, #tpu.memory_space<hbm>>
      tpu.enqueue_dma source(%dma_start3A_86 : memref<16x128xi32, #tpu.memory_space<hbm>>) target(%arg7 : memref<16x128xi32, #tpu.memory_space<vmem>>) target_semaphore(%run_scoped3A_83 : memref<!tpu.dma_semaphore, #tpu.memory_space<semaphore_mem>>)
      %dma_wait3A = arith.constant 0 : i32
      %dma_wait3A_87 = tpu.memref_slice %arg3[%multiple_of3A_21, %dma_wait3A] : memref<512x128xi32, #tpu.memory_space<hbm>> -> memref<16x128xi32, #tpu.memory_space<hbm>>
      %dma_wait3A_88 = arith.constant 0 : i32
      %dma_wait3A_89 = tpu.memref_slice %arg3[%multiple_of3A_21, %dma_wait3A_88] : memref<512x128xi32, #tpu.memory_space<hbm>> -> memref<16x128xi32, #tpu.memory_space<hbm>>
      tpu.wait_dma2 semaphore(%run_scoped3A_83 : memref<!tpu.dma_semaphore, #tpu.memory_space<semaphore_mem>>) src(%dma_wait3A_89 : memref<16x128xi32, #tpu.memory_space<hbm>>) dst(%arg7 : memref<16x128xi32, #tpu.memory_space<vmem>>)
      tpu.yield
    }) : () -> ()
    %barrier3A = arith.constant 0 : index
    tpu.barrier barrier_id(%barrier3A)
    %mul3A_22 = arith.constant 2048 : i32
    %mul3A_23 = arith.muli %add3A, %mul3A_22 : i32
    %add3A_24 = arith.constant 0 : i32
    %add3A_25 = arith.addi %mul3A_23, %add3A_24 : i32
    %multiple_of3A_26 = tpu.assume_multiple %add3A_25, 256 : i32
    "tpu.region"() ({
      %run_scoped3A_83 = tpu.sem_alloc : memref<!tpu.dma_semaphore, #tpu.memory_space<semaphore_mem>>
      %dma_start3A = arith.constant 0 : i32
      %dma_start3A_84 = tpu.memref_slice %arg2[%multiple_of3A_26, %dma_start3A] : memref<65536x64xf32, #tpu.memory_space<hbm>> -> memref<256x64xf32, #tpu.memory_space<hbm>>
      %dma_start3A_85 = arith.constant 0 : i32
      %dma_start3A_86 = tpu.memref_slice %arg2[%multiple_of3A_26, %dma_start3A_85] : memref<65536x64xf32, #tpu.memory_space<hbm>> -> memref<256x64xf32, #tpu.memory_space<hbm>>
      tpu.enqueue_dma source(%dma_start3A_86 : memref<256x64xf32, #tpu.memory_space<hbm>>) target(%arg6 : memref<256x64xf32, #tpu.memory_space<vmem>>) target_semaphore(%run_scoped3A_83 : memref<!tpu.dma_semaphore, #tpu.memory_space<semaphore_mem>>)
      %dma_wait3A = arith.constant 0 : i32
      %dma_wait3A_87 = tpu.memref_slice %arg2[%multiple_of3A_26, %dma_wait3A] : memref<65536x64xf32, #tpu.memory_space<hbm>> -> memref<256x64xf32, #tpu.memory_space<hbm>>
      %dma_wait3A_88 = arith.constant 0 : i32
      %dma_wait3A_89 = tpu.memref_slice %arg2[%multiple_of3A_26, %dma_wait3A_88] : memref<65536x64xf32, #tpu.memory_space<hbm>> -> memref<256x64xf32, #tpu.memory_space<hbm>>
      tpu.wait_dma2 semaphore(%run_scoped3A_83 : memref<!tpu.dma_semaphore, #tpu.memory_space<semaphore_mem>>) src(%dma_wait3A_89 : memref<256x64xf32, #tpu.memory_space<hbm>>) dst(%arg6 : memref<256x64xf32, #tpu.memory_space<vmem>>)
      tpu.yield
    }) : () -> ()
    %run_scoped3A = arith.constant 0 : i32
    "tpu.region"() ({
      %run_scoped3A_83 = tpu.sem_alloc : memref<!tpu.dma_semaphore, #tpu.memory_space<semaphore_mem>>
      %dma_start3A = arith.constant 0 : i32
      %dma_start3A_84 = arith.constant 0 : i32
      %dma_start3A_85 = tpu.memref_slice %arg6[%dma_start3A, %dma_start3A_84] : memref<256x64xf32, #tpu.memory_space<vmem>> -> memref<128x64xf32, #tpu.memory_space<vmem>>
      %dma_start3A_86 = arith.constant 0 : i32
      %dma_start3A_87 = tpu.memref_slice %arg7[%run_scoped3A, %dma_start3A_86] : memref<16x128xi32, #tpu.memory_space<vmem>> -> memref<1x128xi32, #tpu.memory_space<vmem>>
      %dma_start3A_88 = tpu.memref_squeeze %dma_start3A_87 : memref<1x128xi32, #tpu.memory_space<vmem>> -> memref<128xi32, #tpu.memory_space<vmem>>
      %dma_start3A_89 = arith.constant 0 : i32
      %dma_start3A_90 = arith.constant 0 : i32
      %dma_start3A_91 = tpu.memref_slice %arg8[%dma_start3A_89, %dma_start3A_90] : memref<760x64xf32, #tpu.memory_space<vmem_shared>> -> memref<760x64xf32, #tpu.memory_space<vmem_shared>>
      tpu.enqueue_indirect_dma source(%dma_start3A_85 : memref<128x64xf32, #tpu.memory_space<vmem>>) target(%dma_start3A_91 : memref<760x64xf32, #tpu.memory_space<vmem_shared>>) offsets(%dma_start3A_88 : memref<128xi32, #tpu.memory_space<vmem>>) semaphore(%run_scoped3A_83 : memref<!tpu.dma_semaphore, #tpu.memory_space<semaphore_mem>>) {add = true}
      %dma_wait3A = arith.constant 0 : i32
      %dma_wait3A_92 = arith.constant 0 : i32
      %dma_wait3A_93 = tpu.memref_slice %arg6[%dma_wait3A, %dma_wait3A_92] : memref<256x64xf32, #tpu.memory_space<vmem>> -> memref<128x64xf32, #tpu.memory_space<vmem>>
      %dma_wait3A_94 = arith.constant 0 : i32
      %dma_wait3A_95 = tpu.memref_slice %arg7[%run_scoped3A, %dma_wait3A_94] : memref<16x128xi32, #tpu.memory_space<vmem>> -> memref<1x128xi32, #tpu.memory_space<vmem>>
      %dma_wait3A_96 = tpu.memref_squeeze %dma_wait3A_95 : memref<1x128xi32, #tpu.memory_space<vmem>> -> memref<128xi32, #tpu.memory_space<vmem>>
      %dma_wait3A_97 = arith.constant 0 : i32
      %dma_wait3A_98 = arith.constant 0 : i32
      %dma_wait3A_99 = tpu.memref_slice %arg8[%dma_wait3A_97, %dma_wait3A_98] : memref<760x64xf32, #tpu.memory_space<vmem_shared>> -> memref<760x64xf32, #tpu.memory_space<vmem_shared>>
      tpu.wait_indirect_dma semaphore(%run_scoped3A_83 : memref<!tpu.dma_semaphore, #tpu.memory_space<semaphore_mem>>) src(%dma_wait3A_93 : memref<128x64xf32, #tpu.memory_space<vmem>>) dst(%dma_wait3A_99 : memref<760x64xf32, #tpu.memory_space<vmem_shared>>)
      tpu.yield
    }) : () -> ()
    %run_scoped3A_27 = arith.constant 1 : i32
    "tpu.region"() ({
      %run_scoped3A_83 = tpu.sem_alloc : memref<!tpu.dma_semaphore, #tpu.memory_space<semaphore_mem>>
      %dma_start3A = arith.constant 128 : i32
      %dma_start3A_84 = arith.constant 0 : i32
      %dma_start3A_85 = tpu.memref_slice %arg6[%dma_start3A, %dma_start3A_84] : memref<256x64xf32, #tpu.memory_space<vmem>> -> memref<128x64xf32, #tpu.memory_space<vmem>>
      %dma_start3A_86 = arith.constant 0 : i32
      %dma_start3A_87 = tpu.memref_slice %arg7[%run_scoped3A_27, %dma_start3A_86] : memref<16x128xi32, #tpu.memory_space<vmem>> -> memref<1x128xi32, #tpu.memory_space<vmem>>
      %dma_start3A_88 = tpu.memref_squeeze %dma_start3A_87 : memref<1x128xi32, #tpu.memory_space<vmem>> -> memref<128xi32, #tpu.memory_space<vmem>>
      %dma_start3A_89 = arith.constant 0 : i32
      %dma_start3A_90 = arith.constant 0 : i32
      %dma_start3A_91 = tpu.memref_slice %arg8[%dma_start3A_89, %dma_start3A_90] : memref<760x64xf32, #tpu.memory_space<vmem_shared>> -> memref<760x64xf32, #tpu.memory_space<vmem_shared>>
      tpu.enqueue_indirect_dma source(%dma_start3A_85 : memref<128x64xf32, #tpu.memory_space<vmem>>) target(%dma_start3A_91 : memref<760x64xf32, #tpu.memory_space<vmem_shared>>) offsets(%dma_start3A_88 : memref<128xi32, #tpu.memory_space<vmem>>) semaphore(%run_scoped3A_83 : memref<!tpu.dma_semaphore, #tpu.memory_space<semaphore_mem>>) {add = true}
      %dma_wait3A = arith.constant 128 : i32
      %dma_wait3A_92 = arith.constant 0 : i32
      %dma_wait3A_93 = tpu.memref_slice %arg6[%dma_wait3A, %dma_wait3A_92] : memref<256x64xf32, #tpu.memory_space<vmem>> -> memref<128x64xf32, #tpu.memory_space<vmem>>
      %dma_wait3A_94 = arith.constant 0 : i32
      %dma_wait3A_95 = tpu.memref_slice %arg7[%run_scoped3A_27, %dma_wait3A_94] : memref<16x128xi32, #tpu.memory_space<vmem>> -> memref<1x128xi32, #tpu.memory_space<vmem>>
      %dma_wait3A_96 = tpu.memref_squeeze %dma_wait3A_95 : memref<1x128xi32, #tpu.memory_space<vmem>> -> memref<128xi32, #tpu.memory_space<vmem>>
      %dma_wait3A_97 = arith.constant 0 : i32
      %dma_wait3A_98 = arith.constant 0 : i32
      %dma_wait3A_99 = tpu.memref_slice %arg8[%dma_wait3A_97, %dma_wait3A_98] : memref<760x64xf32, #tpu.memory_space<vmem_shared>> -> memref<760x64xf32, #tpu.memory_space<vmem_shared>>
      tpu.wait_indirect_dma semaphore(%run_scoped3A_83 : memref<!tpu.dma_semaphore, #tpu.memory_space<semaphore_mem>>) src(%dma_wait3A_93 : memref<128x64xf32, #tpu.memory_space<vmem>>) dst(%dma_wait3A_99 : memref<760x64xf32, #tpu.memory_space<vmem_shared>>)
      tpu.yield
    }) : () -> ()
    %mul3A_28 = arith.constant 2048 : i32
    %mul3A_29 = arith.muli %add3A, %mul3A_28 : i32
    %add3A_30 = arith.constant 256 : i32
    %add3A_31 = arith.addi %mul3A_29, %add3A_30 : i32
    %multiple_of3A_32 = tpu.assume_multiple %add3A_31, 256 : i32
    "tpu.region"() ({
      %run_scoped3A_83 = tpu.sem_alloc : memref<!tpu.dma_semaphore, #tpu.memory_space<semaphore_mem>>
      %dma_start3A = arith.constant 0 : i32
      %dma_start3A_84 = tpu.memref_slice %arg2[%multiple_of3A_32, %dma_start3A] : memref<65536x64xf32, #tpu.memory_space<hbm>> -> memref<256x64xf32, #tpu.memory_space<hbm>>
      %dma_start3A_85 = arith.constant 0 : i32
      %dma_start3A_86 = tpu.memref_slice %arg2[%multiple_of3A_32, %dma_start3A_85] : memref<65536x64xf32, #tpu.memory_space<hbm>> -> memref<256x64xf32, #tpu.memory_space<hbm>>
      tpu.enqueue_dma source(%dma_start3A_86 : memref<256x64xf32, #tpu.memory_space<hbm>>) target(%arg6 : memref<256x64xf32, #tpu.memory_space<vmem>>) target_semaphore(%run_scoped3A_83 : memref<!tpu.dma_semaphore, #tpu.memory_space<semaphore_mem>>)
      %dma_wait3A = arith.constant 0 : i32
      %dma_wait3A_87 = tpu.memref_slice %arg2[%multiple_of3A_32, %dma_wait3A] : memref<65536x64xf32, #tpu.memory_space<hbm>> -> memref<256x64xf32, #tpu.memory_space<hbm>>
      %dma_wait3A_88 = arith.constant 0 : i32
      %dma_wait3A_89 = tpu.memref_slice %arg2[%multiple_of3A_32, %dma_wait3A_88] : memref<65536x64xf32, #tpu.memory_space<hbm>> -> memref<256x64xf32, #tpu.memory_space<hbm>>
      tpu.wait_dma2 semaphore(%run_scoped3A_83 : memref<!tpu.dma_semaphore, #tpu.memory_space<semaphore_mem>>) src(%dma_wait3A_89 : memref<256x64xf32, #tpu.memory_space<hbm>>) dst(%arg6 : memref<256x64xf32, #tpu.memory_space<vmem>>)
      tpu.yield
    }) : () -> ()
    %run_scoped3A_33 = arith.constant 2 : i32
    "tpu.region"() ({
      %run_scoped3A_83 = tpu.sem_alloc : memref<!tpu.dma_semaphore, #tpu.memory_space<semaphore_mem>>
      %dma_start3A = arith.constant 0 : i32
      %dma_start3A_84 = arith.constant 0 : i32
      %dma_start3A_85 = tpu.memref_slice %arg6[%dma_start3A, %dma_start3A_84] : memref<256x64xf32, #tpu.memory_space<vmem>> -> memref<128x64xf32, #tpu.memory_space<vmem>>
      %dma_start3A_86 = arith.constant 0 : i32
      %dma_start3A_87 = tpu.memref_slice %arg7[%run_scoped3A_33, %dma_start3A_86] : memref<16x128xi32, #tpu.memory_space<vmem>> -> memref<1x128xi32, #tpu.memory_space<vmem>>
      %dma_start3A_88 = tpu.memref_squeeze %dma_start3A_87 : memref<1x128xi32, #tpu.memory_space<vmem>> -> memref<128xi32, #tpu.memory_space<vmem>>
      %dma_start3A_89 = arith.constant 0 : i32
      %dma_start3A_90 = arith.constant 0 : i32
      %dma_start3A_91 = tpu.memref_slice %arg8[%dma_start3A_89, %dma_start3A_90] : memref<760x64xf32, #tpu.memory_space<vmem_shared>> -> memref<760x64xf32, #tpu.memory_space<vmem_shared>>
      tpu.enqueue_indirect_dma source(%dma_start3A_85 : memref<128x64xf32, #tpu.memory_space<vmem>>) target(%dma_start3A_91 : memref<760x64xf32, #tpu.memory_space<vmem_shared>>) offsets(%dma_start3A_88 : memref<128xi32, #tpu.memory_space<vmem>>) semaphore(%run_scoped3A_83 : memref<!tpu.dma_semaphore, #tpu.memory_space<semaphore_mem>>) {add = true}
      %dma_wait3A = arith.constant 0 : i32
      %dma_wait3A_92 = arith.constant 0 : i32
      %dma_wait3A_93 = tpu.memref_slice %arg6[%dma_wait3A, %dma_wait3A_92] : memref<256x64xf32, #tpu.memory_space<vmem>> -> memref<128x64xf32, #tpu.memory_space<vmem>>
      %dma_wait3A_94 = arith.constant 0 : i32
      %dma_wait3A_95 = tpu.memref_slice %arg7[%run_scoped3A_33, %dma_wait3A_94] : memref<16x128xi32, #tpu.memory_space<vmem>> -> memref<1x128xi32, #tpu.memory_space<vmem>>
      %dma_wait3A_96 = tpu.memref_squeeze %dma_wait3A_95 : memref<1x128xi32, #tpu.memory_space<vmem>> -> memref<128xi32, #tpu.memory_space<vmem>>
      %dma_wait3A_97 = arith.constant 0 : i32
      %dma_wait3A_98 = arith.constant 0 : i32
      %dma_wait3A_99 = tpu.memref_slice %arg8[%dma_wait3A_97, %dma_wait3A_98] : memref<760x64xf32, #tpu.memory_space<vmem_shared>> -> memref<760x64xf32, #tpu.memory_space<vmem_shared>>
      tpu.wait_indirect_dma semaphore(%run_scoped3A_83 : memref<!tpu.dma_semaphore, #tpu.memory_space<semaphore_mem>>) src(%dma_wait3A_93 : memref<128x64xf32, #tpu.memory_space<vmem>>) dst(%dma_wait3A_99 : memref<760x64xf32, #tpu.memory_space<vmem_shared>>)
      tpu.yield
    }) : () -> ()
    %run_scoped3A_34 = arith.constant 3 : i32
    "tpu.region"() ({
      %run_scoped3A_83 = tpu.sem_alloc : memref<!tpu.dma_semaphore, #tpu.memory_space<semaphore_mem>>
      %dma_start3A = arith.constant 128 : i32
      %dma_start3A_84 = arith.constant 0 : i32
      %dma_start3A_85 = tpu.memref_slice %arg6[%dma_start3A, %dma_start3A_84] : memref<256x64xf32, #tpu.memory_space<vmem>> -> memref<128x64xf32, #tpu.memory_space<vmem>>
      %dma_start3A_86 = arith.constant 0 : i32
      %dma_start3A_87 = tpu.memref_slice %arg7[%run_scoped3A_34, %dma_start3A_86] : memref<16x128xi32, #tpu.memory_space<vmem>> -> memref<1x128xi32, #tpu.memory_space<vmem>>
      %dma_start3A_88 = tpu.memref_squeeze %dma_start3A_87 : memref<1x128xi32, #tpu.memory_space<vmem>> -> memref<128xi32, #tpu.memory_space<vmem>>
      %dma_start3A_89 = arith.constant 0 : i32
      %dma_start3A_90 = arith.constant 0 : i32
      %dma_start3A_91 = tpu.memref_slice %arg8[%dma_start3A_89, %dma_start3A_90] : memref<760x64xf32, #tpu.memory_space<vmem_shared>> -> memref<760x64xf32, #tpu.memory_space<vmem_shared>>
      tpu.enqueue_indirect_dma source(%dma_start3A_85 : memref<128x64xf32, #tpu.memory_space<vmem>>) target(%dma_start3A_91 : memref<760x64xf32, #tpu.memory_space<vmem_shared>>) offsets(%dma_start3A_88 : memref<128xi32, #tpu.memory_space<vmem>>) semaphore(%run_scoped3A_83 : memref<!tpu.dma_semaphore, #tpu.memory_space<semaphore_mem>>) {add = true}
      %dma_wait3A = arith.constant 128 : i32
      %dma_wait3A_92 = arith.constant 0 : i32
      %dma_wait3A_93 = tpu.memref_slice %arg6[%dma_wait3A, %dma_wait3A_92] : memref<256x64xf32, #tpu.memory_space<vmem>> -> memref<128x64xf32, #tpu.memory_space<vmem>>
      %dma_wait3A_94 = arith.constant 0 : i32
      %dma_wait3A_95 = tpu.memref_slice %arg7[%run_scoped3A_34, %dma_wait3A_94] : memref<16x128xi32, #tpu.memory_space<vmem>> -> memref<1x128xi32, #tpu.memory_space<vmem>>
      %dma_wait3A_96 = tpu.memref_squeeze %dma_wait3A_95 : memref<1x128xi32, #tpu.memory_space<vmem>> -> memref<128xi32, #tpu.memory_space<vmem>>
      %dma_wait3A_97 = arith.constant 0 : i32
      %dma_wait3A_98 = arith.constant 0 : i32
      %dma_wait3A_99 = tpu.memref_slice %arg8[%dma_wait3A_97, %dma_wait3A_98] : memref<760x64xf32, #tpu.memory_space<vmem_shared>> -> memref<760x64xf32, #tpu.memory_space<vmem_shared>>
      tpu.wait_indirect_dma semaphore(%run_scoped3A_83 : memref<!tpu.dma_semaphore, #tpu.memory_space<semaphore_mem>>) src(%dma_wait3A_93 : memref<128x64xf32, #tpu.memory_space<vmem>>) dst(%dma_wait3A_99 : memref<760x64xf32, #tpu.memory_space<vmem_shared>>)
      tpu.yield
    }) : () -> ()
    %mul3A_35 = arith.constant 2048 : i32
    %mul3A_36 = arith.muli %add3A, %mul3A_35 : i32
    %add3A_37 = arith.constant 512 : i32
    %add3A_38 = arith.addi %mul3A_36, %add3A_37 : i32
    %multiple_of3A_39 = tpu.assume_multiple %add3A_38, 256 : i32
    "tpu.region"() ({
      %run_scoped3A_83 = tpu.sem_alloc : memref<!tpu.dma_semaphore, #tpu.memory_space<semaphore_mem>>
      %dma_start3A = arith.constant 0 : i32
      %dma_start3A_84 = tpu.memref_slice %arg2[%multiple_of3A_39, %dma_start3A] : memref<65536x64xf32, #tpu.memory_space<hbm>> -> memref<256x64xf32, #tpu.memory_space<hbm>>
      %dma_start3A_85 = arith.constant 0 : i32
      %dma_start3A_86 = tpu.memref_slice %arg2[%multiple_of3A_39, %dma_start3A_85] : memref<65536x64xf32, #tpu.memory_space<hbm>> -> memref<256x64xf32, #tpu.memory_space<hbm>>
      tpu.enqueue_dma source(%dma_start3A_86 : memref<256x64xf32, #tpu.memory_space<hbm>>) target(%arg6 : memref<256x64xf32, #tpu.memory_space<vmem>>) target_semaphore(%run_scoped3A_83 : memref<!tpu.dma_semaphore, #tpu.memory_space<semaphore_mem>>)
      %dma_wait3A = arith.constant 0 : i32
      %dma_wait3A_87 = tpu.memref_slice %arg2[%multiple_of3A_39, %dma_wait3A] : memref<65536x64xf32, #tpu.memory_space<hbm>> -> memref<256x64xf32, #tpu.memory_space<hbm>>
      %dma_wait3A_88 = arith.constant 0 : i32
      %dma_wait3A_89 = tpu.memref_slice %arg2[%multiple_of3A_39, %dma_wait3A_88] : memref<65536x64xf32, #tpu.memory_space<hbm>> -> memref<256x64xf32, #tpu.memory_space<hbm>>
      tpu.wait_dma2 semaphore(%run_scoped3A_83 : memref<!tpu.dma_semaphore, #tpu.memory_space<semaphore_mem>>) src(%dma_wait3A_89 : memref<256x64xf32, #tpu.memory_space<hbm>>) dst(%arg6 : memref<256x64xf32, #tpu.memory_space<vmem>>)
      tpu.yield
    }) : () -> ()
    %run_scoped3A_40 = arith.constant 4 : i32
    "tpu.region"() ({
      %run_scoped3A_83 = tpu.sem_alloc : memref<!tpu.dma_semaphore, #tpu.memory_space<semaphore_mem>>
      %dma_start3A = arith.constant 0 : i32
      %dma_start3A_84 = arith.constant 0 : i32
      %dma_start3A_85 = tpu.memref_slice %arg6[%dma_start3A, %dma_start3A_84] : memref<256x64xf32, #tpu.memory_space<vmem>> -> memref<128x64xf32, #tpu.memory_space<vmem>>
      %dma_start3A_86 = arith.constant 0 : i32
      %dma_start3A_87 = tpu.memref_slice %arg7[%run_scoped3A_40, %dma_start3A_86] : memref<16x128xi32, #tpu.memory_space<vmem>> -> memref<1x128xi32, #tpu.memory_space<vmem>>
      %dma_start3A_88 = tpu.memref_squeeze %dma_start3A_87 : memref<1x128xi32, #tpu.memory_space<vmem>> -> memref<128xi32, #tpu.memory_space<vmem>>
      %dma_start3A_89 = arith.constant 0 : i32
      %dma_start3A_90 = arith.constant 0 : i32
      %dma_start3A_91 = tpu.memref_slice %arg8[%dma_start3A_89, %dma_start3A_90] : memref<760x64xf32, #tpu.memory_space<vmem_shared>> -> memref<760x64xf32, #tpu.memory_space<vmem_shared>>
      tpu.enqueue_indirect_dma source(%dma_start3A_85 : memref<128x64xf32, #tpu.memory_space<vmem>>) target(%dma_start3A_91 : memref<760x64xf32, #tpu.memory_space<vmem_shared>>) offsets(%dma_start3A_88 : memref<128xi32, #tpu.memory_space<vmem>>) semaphore(%run_scoped3A_83 : memref<!tpu.dma_semaphore, #tpu.memory_space<semaphore_mem>>) {add = true}
      %dma_wait3A = arith.constant 0 : i32
      %dma_wait3A_92 = arith.constant 0 : i32
      %dma_wait3A_93 = tpu.memref_slice %arg6[%dma_wait3A, %dma_wait3A_92] : memref<256x64xf32, #tpu.memory_space<vmem>> -> memref<128x64xf32, #tpu.memory_space<vmem>>
      %dma_wait3A_94 = arith.constant 0 : i32
      %dma_wait3A_95 = tpu.memref_slice %arg7[%run_scoped3A_40, %dma_wait3A_94] : memref<16x128xi32, #tpu.memory_space<vmem>> -> memref<1x128xi32, #tpu.memory_space<vmem>>
      %dma_wait3A_96 = tpu.memref_squeeze %dma_wait3A_95 : memref<1x128xi32, #tpu.memory_space<vmem>> -> memref<128xi32, #tpu.memory_space<vmem>>
      %dma_wait3A_97 = arith.constant 0 : i32
      %dma_wait3A_98 = arith.constant 0 : i32
      %dma_wait3A_99 = tpu.memref_slice %arg8[%dma_wait3A_97, %dma_wait3A_98] : memref<760x64xf32, #tpu.memory_space<vmem_shared>> -> memref<760x64xf32, #tpu.memory_space<vmem_shared>>
      tpu.wait_indirect_dma semaphore(%run_scoped3A_83 : memref<!tpu.dma_semaphore, #tpu.memory_space<semaphore_mem>>) src(%dma_wait3A_93 : memref<128x64xf32, #tpu.memory_space<vmem>>) dst(%dma_wait3A_99 : memref<760x64xf32, #tpu.memory_space<vmem_shared>>)
      tpu.yield
    }) : () -> ()
    %run_scoped3A_41 = arith.constant 5 : i32
    "tpu.region"() ({
      %run_scoped3A_83 = tpu.sem_alloc : memref<!tpu.dma_semaphore, #tpu.memory_space<semaphore_mem>>
      %dma_start3A = arith.constant 128 : i32
      %dma_start3A_84 = arith.constant 0 : i32
      %dma_start3A_85 = tpu.memref_slice %arg6[%dma_start3A, %dma_start3A_84] : memref<256x64xf32, #tpu.memory_space<vmem>> -> memref<128x64xf32, #tpu.memory_space<vmem>>
      %dma_start3A_86 = arith.constant 0 : i32
      %dma_start3A_87 = tpu.memref_slice %arg7[%run_scoped3A_41, %dma_start3A_86] : memref<16x128xi32, #tpu.memory_space<vmem>> -> memref<1x128xi32, #tpu.memory_space<vmem>>
      %dma_start3A_88 = tpu.memref_squeeze %dma_start3A_87 : memref<1x128xi32, #tpu.memory_space<vmem>> -> memref<128xi32, #tpu.memory_space<vmem>>
      %dma_start3A_89 = arith.constant 0 : i32
      %dma_start3A_90 = arith.constant 0 : i32
      %dma_start3A_91 = tpu.memref_slice %arg8[%dma_start3A_89, %dma_start3A_90] : memref<760x64xf32, #tpu.memory_space<vmem_shared>> -> memref<760x64xf32, #tpu.memory_space<vmem_shared>>
      tpu.enqueue_indirect_dma source(%dma_start3A_85 : memref<128x64xf32, #tpu.memory_space<vmem>>) target(%dma_start3A_91 : memref<760x64xf32, #tpu.memory_space<vmem_shared>>) offsets(%dma_start3A_88 : memref<128xi32, #tpu.memory_space<vmem>>) semaphore(%run_scoped3A_83 : memref<!tpu.dma_semaphore, #tpu.memory_space<semaphore_mem>>) {add = true}
      %dma_wait3A = arith.constant 128 : i32
      %dma_wait3A_92 = arith.constant 0 : i32
      %dma_wait3A_93 = tpu.memref_slice %arg6[%dma_wait3A, %dma_wait3A_92] : memref<256x64xf32, #tpu.memory_space<vmem>> -> memref<128x64xf32, #tpu.memory_space<vmem>>
      %dma_wait3A_94 = arith.constant 0 : i32
      %dma_wait3A_95 = tpu.memref_slice %arg7[%run_scoped3A_41, %dma_wait3A_94] : memref<16x128xi32, #tpu.memory_space<vmem>> -> memref<1x128xi32, #tpu.memory_space<vmem>>
      %dma_wait3A_96 = tpu.memref_squeeze %dma_wait3A_95 : memref<1x128xi32, #tpu.memory_space<vmem>> -> memref<128xi32, #tpu.memory_space<vmem>>
      %dma_wait3A_97 = arith.constant 0 : i32
      %dma_wait3A_98 = arith.constant 0 : i32
      %dma_wait3A_99 = tpu.memref_slice %arg8[%dma_wait3A_97, %dma_wait3A_98] : memref<760x64xf32, #tpu.memory_space<vmem_shared>> -> memref<760x64xf32, #tpu.memory_space<vmem_shared>>
      tpu.wait_indirect_dma semaphore(%run_scoped3A_83 : memref<!tpu.dma_semaphore, #tpu.memory_space<semaphore_mem>>) src(%dma_wait3A_93 : memref<128x64xf32, #tpu.memory_space<vmem>>) dst(%dma_wait3A_99 : memref<760x64xf32, #tpu.memory_space<vmem_shared>>)
      tpu.yield
    }) : () -> ()
    %mul3A_42 = arith.constant 2048 : i32
    %mul3A_43 = arith.muli %add3A, %mul3A_42 : i32
    %add3A_44 = arith.constant 768 : i32
    %add3A_45 = arith.addi %mul3A_43, %add3A_44 : i32
    %multiple_of3A_46 = tpu.assume_multiple %add3A_45, 256 : i32
    "tpu.region"() ({
      %run_scoped3A_83 = tpu.sem_alloc : memref<!tpu.dma_semaphore, #tpu.memory_space<semaphore_mem>>
      %dma_start3A = arith.constant 0 : i32
      %dma_start3A_84 = tpu.memref_slice %arg2[%multiple_of3A_46, %dma_start3A] : memref<65536x64xf32, #tpu.memory_space<hbm>> -> memref<256x64xf32, #tpu.memory_space<hbm>>
      %dma_start3A_85 = arith.constant 0 : i32
      %dma_start3A_86 = tpu.memref_slice %arg2[%multiple_of3A_46, %dma_start3A_85] : memref<65536x64xf32, #tpu.memory_space<hbm>> -> memref<256x64xf32, #tpu.memory_space<hbm>>
      tpu.enqueue_dma source(%dma_start3A_86 : memref<256x64xf32, #tpu.memory_space<hbm>>) target(%arg6 : memref<256x64xf32, #tpu.memory_space<vmem>>) target_semaphore(%run_scoped3A_83 : memref<!tpu.dma_semaphore, #tpu.memory_space<semaphore_mem>>)
      %dma_wait3A = arith.constant 0 : i32
      %dma_wait3A_87 = tpu.memref_slice %arg2[%multiple_of3A_46, %dma_wait3A] : memref<65536x64xf32, #tpu.memory_space<hbm>> -> memref<256x64xf32, #tpu.memory_space<hbm>>
      %dma_wait3A_88 = arith.constant 0 : i32
      %dma_wait3A_89 = tpu.memref_slice %arg2[%multiple_of3A_46, %dma_wait3A_88] : memref<65536x64xf32, #tpu.memory_space<hbm>> -> memref<256x64xf32, #tpu.memory_space<hbm>>
      tpu.wait_dma2 semaphore(%run_scoped3A_83 : memref<!tpu.dma_semaphore, #tpu.memory_space<semaphore_mem>>) src(%dma_wait3A_89 : memref<256x64xf32, #tpu.memory_space<hbm>>) dst(%arg6 : memref<256x64xf32, #tpu.memory_space<vmem>>)
      tpu.yield
    }) : () -> ()
    %run_scoped3A_47 = arith.constant 6 : i32
    "tpu.region"() ({
      %run_scoped3A_83 = tpu.sem_alloc : memref<!tpu.dma_semaphore, #tpu.memory_space<semaphore_mem>>
      %dma_start3A = arith.constant 0 : i32
      %dma_start3A_84 = arith.constant 0 : i32
      %dma_start3A_85 = tpu.memref_slice %arg6[%dma_start3A, %dma_start3A_84] : memref<256x64xf32, #tpu.memory_space<vmem>> -> memref<128x64xf32, #tpu.memory_space<vmem>>
      %dma_start3A_86 = arith.constant 0 : i32
      %dma_start3A_87 = tpu.memref_slice %arg7[%run_scoped3A_47, %dma_start3A_86] : memref<16x128xi32, #tpu.memory_space<vmem>> -> memref<1x128xi32, #tpu.memory_space<vmem>>
      %dma_start3A_88 = tpu.memref_squeeze %dma_start3A_87 : memref<1x128xi32, #tpu.memory_space<vmem>> -> memref<128xi32, #tpu.memory_space<vmem>>
      %dma_start3A_89 = arith.constant 0 : i32
      %dma_start3A_90 = arith.constant 0 : i32
      %dma_start3A_91 = tpu.memref_slice %arg8[%dma_start3A_89, %dma_start3A_90] : memref<760x64xf32, #tpu.memory_space<vmem_shared>> -> memref<760x64xf32, #tpu.memory_space<vmem_shared>>
      tpu.enqueue_indirect_dma source(%dma_start3A_85 : memref<128x64xf32, #tpu.memory_space<vmem>>) target(%dma_start3A_91 : memref<760x64xf32, #tpu.memory_space<vmem_shared>>) offsets(%dma_start3A_88 : memref<128xi32, #tpu.memory_space<vmem>>) semaphore(%run_scoped3A_83 : memref<!tpu.dma_semaphore, #tpu.memory_space<semaphore_mem>>) {add = true}
      %dma_wait3A = arith.constant 0 : i32
      %dma_wait3A_92 = arith.constant 0 : i32
      %dma_wait3A_93 = tpu.memref_slice %arg6[%dma_wait3A, %dma_wait3A_92] : memref<256x64xf32, #tpu.memory_space<vmem>> -> memref<128x64xf32, #tpu.memory_space<vmem>>
      %dma_wait3A_94 = arith.constant 0 : i32
      %dma_wait3A_95 = tpu.memref_slice %arg7[%run_scoped3A_47, %dma_wait3A_94] : memref<16x128xi32, #tpu.memory_space<vmem>> -> memref<1x128xi32, #tpu.memory_space<vmem>>
      %dma_wait3A_96 = tpu.memref_squeeze %dma_wait3A_95 : memref<1x128xi32, #tpu.memory_space<vmem>> -> memref<128xi32, #tpu.memory_space<vmem>>
      %dma_wait3A_97 = arith.constant 0 : i32
      %dma_wait3A_98 = arith.constant 0 : i32
      %dma_wait3A_99 = tpu.memref_slice %arg8[%dma_wait3A_97, %dma_wait3A_98] : memref<760x64xf32, #tpu.memory_space<vmem_shared>> -> memref<760x64xf32, #tpu.memory_space<vmem_shared>>
      tpu.wait_indirect_dma semaphore(%run_scoped3A_83 : memref<!tpu.dma_semaphore, #tpu.memory_space<semaphore_mem>>) src(%dma_wait3A_93 : memref<128x64xf32, #tpu.memory_space<vmem>>) dst(%dma_wait3A_99 : memref<760x64xf32, #tpu.memory_space<vmem_shared>>)
      tpu.yield
    }) : () -> ()
    %run_scoped3A_48 = arith.constant 7 : i32
    "tpu.region"() ({
      %run_scoped3A_83 = tpu.sem_alloc : memref<!tpu.dma_semaphore, #tpu.memory_space<semaphore_mem>>
      %dma_start3A = arith.constant 128 : i32
      %dma_start3A_84 = arith.constant 0 : i32
      %dma_start3A_85 = tpu.memref_slice %arg6[%dma_start3A, %dma_start3A_84] : memref<256x64xf32, #tpu.memory_space<vmem>> -> memref<128x64xf32, #tpu.memory_space<vmem>>
      %dma_start3A_86 = arith.constant 0 : i32
      %dma_start3A_87 = tpu.memref_slice %arg7[%run_scoped3A_48, %dma_start3A_86] : memref<16x128xi32, #tpu.memory_space<vmem>> -> memref<1x128xi32, #tpu.memory_space<vmem>>
      %dma_start3A_88 = tpu.memref_squeeze %dma_start3A_87 : memref<1x128xi32, #tpu.memory_space<vmem>> -> memref<128xi32, #tpu.memory_space<vmem>>
      %dma_start3A_89 = arith.constant 0 : i32
      %dma_start3A_90 = arith.constant 0 : i32
      %dma_start3A_91 = tpu.memref_slice %arg8[%dma_start3A_89, %dma_start3A_90] : memref<760x64xf32, #tpu.memory_space<vmem_shared>> -> memref<760x64xf32, #tpu.memory_space<vmem_shared>>
      tpu.enqueue_indirect_dma source(%dma_start3A_85 : memref<128x64xf32, #tpu.memory_space<vmem>>) target(%dma_start3A_91 : memref<760x64xf32, #tpu.memory_space<vmem_shared>>) offsets(%dma_start3A_88 : memref<128xi32, #tpu.memory_space<vmem>>) semaphore(%run_scoped3A_83 : memref<!tpu.dma_semaphore, #tpu.memory_space<semaphore_mem>>) {add = true}
      %dma_wait3A = arith.constant 128 : i32
      %dma_wait3A_92 = arith.constant 0 : i32
      %dma_wait3A_93 = tpu.memref_slice %arg6[%dma_wait3A, %dma_wait3A_92] : memref<256x64xf32, #tpu.memory_space<vmem>> -> memref<128x64xf32, #tpu.memory_space<vmem>>
      %dma_wait3A_94 = arith.constant 0 : i32
      %dma_wait3A_95 = tpu.memref_slice %arg7[%run_scoped3A_48, %dma_wait3A_94] : memref<16x128xi32, #tpu.memory_space<vmem>> -> memref<1x128xi32, #tpu.memory_space<vmem>>
      %dma_wait3A_96 = tpu.memref_squeeze %dma_wait3A_95 : memref<1x128xi32, #tpu.memory_space<vmem>> -> memref<128xi32, #tpu.memory_space<vmem>>
      %dma_wait3A_97 = arith.constant 0 : i32
      %dma_wait3A_98 = arith.constant 0 : i32
      %dma_wait3A_99 = tpu.memref_slice %arg8[%dma_wait3A_97, %dma_wait3A_98] : memref<760x64xf32, #tpu.memory_space<vmem_shared>> -> memref<760x64xf32, #tpu.memory_space<vmem_shared>>
      tpu.wait_indirect_dma semaphore(%run_scoped3A_83 : memref<!tpu.dma_semaphore, #tpu.memory_space<semaphore_mem>>) src(%dma_wait3A_93 : memref<128x64xf32, #tpu.memory_space<vmem>>) dst(%dma_wait3A_99 : memref<760x64xf32, #tpu.memory_space<vmem_shared>>)
      tpu.yield
    }) : () -> ()
    %mul3A_49 = arith.constant 2048 : i32
    %mul3A_50 = arith.muli %add3A, %mul3A_49 : i32
    %add3A_51 = arith.constant 1024 : i32
    %add3A_52 = arith.addi %mul3A_50, %add3A_51 : i32
    %multiple_of3A_53 = tpu.assume_multiple %add3A_52, 256 : i32
    "tpu.region"() ({
      %run_scoped3A_83 = tpu.sem_alloc : memref<!tpu.dma_semaphore, #tpu.memory_space<semaphore_mem>>
      %dma_start3A = arith.constant 0 : i32
      %dma_start3A_84 = tpu.memref_slice %arg2[%multiple_of3A_53, %dma_start3A] : memref<65536x64xf32, #tpu.memory_space<hbm>> -> memref<256x64xf32, #tpu.memory_space<hbm>>
      %dma_start3A_85 = arith.constant 0 : i32
      %dma_start3A_86 = tpu.memref_slice %arg2[%multiple_of3A_53, %dma_start3A_85] : memref<65536x64xf32, #tpu.memory_space<hbm>> -> memref<256x64xf32, #tpu.memory_space<hbm>>
      tpu.enqueue_dma source(%dma_start3A_86 : memref<256x64xf32, #tpu.memory_space<hbm>>) target(%arg6 : memref<256x64xf32, #tpu.memory_space<vmem>>) target_semaphore(%run_scoped3A_83 : memref<!tpu.dma_semaphore, #tpu.memory_space<semaphore_mem>>)
      %dma_wait3A = arith.constant 0 : i32
      %dma_wait3A_87 = tpu.memref_slice %arg2[%multiple_of3A_53, %dma_wait3A] : memref<65536x64xf32, #tpu.memory_space<hbm>> -> memref<256x64xf32, #tpu.memory_space<hbm>>
      %dma_wait3A_88 = arith.constant 0 : i32
      %dma_wait3A_89 = tpu.memref_slice %arg2[%multiple_of3A_53, %dma_wait3A_88] : memref<65536x64xf32, #tpu.memory_space<hbm>> -> memref<256x64xf32, #tpu.memory_space<hbm>>
      tpu.wait_dma2 semaphore(%run_scoped3A_83 : memref<!tpu.dma_semaphore, #tpu.memory_space<semaphore_mem>>) src(%dma_wait3A_89 : memref<256x64xf32, #tpu.memory_space<hbm>>) dst(%arg6 : memref<256x64xf32, #tpu.memory_space<vmem>>)
      tpu.yield
    }) : () -> ()
    %run_scoped3A_54 = arith.constant 8 : i32
    "tpu.region"() ({
      %run_scoped3A_83 = tpu.sem_alloc : memref<!tpu.dma_semaphore, #tpu.memory_space<semaphore_mem>>
      %dma_start3A = arith.constant 0 : i32
      %dma_start3A_84 = arith.constant 0 : i32
      %dma_start3A_85 = tpu.memref_slice %arg6[%dma_start3A, %dma_start3A_84] : memref<256x64xf32, #tpu.memory_space<vmem>> -> memref<128x64xf32, #tpu.memory_space<vmem>>
      %dma_start3A_86 = arith.constant 0 : i32
      %dma_start3A_87 = tpu.memref_slice %arg7[%run_scoped3A_54, %dma_start3A_86] : memref<16x128xi32, #tpu.memory_space<vmem>> -> memref<1x128xi32, #tpu.memory_space<vmem>>
      %dma_start3A_88 = tpu.memref_squeeze %dma_start3A_87 : memref<1x128xi32, #tpu.memory_space<vmem>> -> memref<128xi32, #tpu.memory_space<vmem>>
      %dma_start3A_89 = arith.constant 0 : i32
      %dma_start3A_90 = arith.constant 0 : i32
      %dma_start3A_91 = tpu.memref_slice %arg8[%dma_start3A_89, %dma_start3A_90] : memref<760x64xf32, #tpu.memory_space<vmem_shared>> -> memref<760x64xf32, #tpu.memory_space<vmem_shared>>
      tpu.enqueue_indirect_dma source(%dma_start3A_85 : memref<128x64xf32, #tpu.memory_space<vmem>>) target(%dma_start3A_91 : memref<760x64xf32, #tpu.memory_space<vmem_shared>>) offsets(%dma_start3A_88 : memref<128xi32, #tpu.memory_space<vmem>>) semaphore(%run_scoped3A_83 : memref<!tpu.dma_semaphore, #tpu.memory_space<semaphore_mem>>) {add = true}
      %dma_wait3A = arith.constant 0 : i32
      %dma_wait3A_92 = arith.constant 0 : i32
      %dma_wait3A_93 = tpu.memref_slice %arg6[%dma_wait3A, %dma_wait3A_92] : memref<256x64xf32, #tpu.memory_space<vmem>> -> memref<128x64xf32, #tpu.memory_space<vmem>>
      %dma_wait3A_94 = arith.constant 0 : i32
      %dma_wait3A_95 = tpu.memref_slice %arg7[%run_scoped3A_54, %dma_wait3A_94] : memref<16x128xi32, #tpu.memory_space<vmem>> -> memref<1x128xi32, #tpu.memory_space<vmem>>
      %dma_wait3A_96 = tpu.memref_squeeze %dma_wait3A_95 : memref<1x128xi32, #tpu.memory_space<vmem>> -> memref<128xi32, #tpu.memory_space<vmem>>
      %dma_wait3A_97 = arith.constant 0 : i32
      %dma_wait3A_98 = arith.constant 0 : i32
      %dma_wait3A_99 = tpu.memref_slice %arg8[%dma_wait3A_97, %dma_wait3A_98] : memref<760x64xf32, #tpu.memory_space<vmem_shared>> -> memref<760x64xf32, #tpu.memory_space<vmem_shared>>
      tpu.wait_indirect_dma semaphore(%run_scoped3A_83 : memref<!tpu.dma_semaphore, #tpu.memory_space<semaphore_mem>>) src(%dma_wait3A_93 : memref<128x64xf32, #tpu.memory_space<vmem>>) dst(%dma_wait3A_99 : memref<760x64xf32, #tpu.memory_space<vmem_shared>>)
      tpu.yield
    }) : () -> ()
    %run_scoped3A_55 = arith.constant 9 : i32
    "tpu.region"() ({
      %run_scoped3A_83 = tpu.sem_alloc : memref<!tpu.dma_semaphore, #tpu.memory_space<semaphore_mem>>
      %dma_start3A = arith.constant 128 : i32
      %dma_start3A_84 = arith.constant 0 : i32
      %dma_start3A_85 = tpu.memref_slice %arg6[%dma_start3A, %dma_start3A_84] : memref<256x64xf32, #tpu.memory_space<vmem>> -> memref<128x64xf32, #tpu.memory_space<vmem>>
      %dma_start3A_86 = arith.constant 0 : i32
      %dma_start3A_87 = tpu.memref_slice %arg7[%run_scoped3A_55, %dma_start3A_86] : memref<16x128xi32, #tpu.memory_space<vmem>> -> memref<1x128xi32, #tpu.memory_space<vmem>>
      %dma_start3A_88 = tpu.memref_squeeze %dma_start3A_87 : memref<1x128xi32, #tpu.memory_space<vmem>> -> memref<128xi32, #tpu.memory_space<vmem>>
      %dma_start3A_89 = arith.constant 0 : i32
      %dma_start3A_90 = arith.constant 0 : i32
      %dma_start3A_91 = tpu.memref_slice %arg8[%dma_start3A_89, %dma_start3A_90] : memref<760x64xf32, #tpu.memory_space<vmem_shared>> -> memref<760x64xf32, #tpu.memory_space<vmem_shared>>
      tpu.enqueue_indirect_dma source(%dma_start3A_85 : memref<128x64xf32, #tpu.memory_space<vmem>>) target(%dma_start3A_91 : memref<760x64xf32, #tpu.memory_space<vmem_shared>>) offsets(%dma_start3A_88 : memref<128xi32, #tpu.memory_space<vmem>>) semaphore(%run_scoped3A_83 : memref<!tpu.dma_semaphore, #tpu.memory_space<semaphore_mem>>) {add = true}
      %dma_wait3A = arith.constant 128 : i32
      %dma_wait3A_92 = arith.constant 0 : i32
      %dma_wait3A_93 = tpu.memref_slice %arg6[%dma_wait3A, %dma_wait3A_92] : memref<256x64xf32, #tpu.memory_space<vmem>> -> memref<128x64xf32, #tpu.memory_space<vmem>>
      %dma_wait3A_94 = arith.constant 0 : i32
      %dma_wait3A_95 = tpu.memref_slice %arg7[%run_scoped3A_55, %dma_wait3A_94] : memref<16x128xi32, #tpu.memory_space<vmem>> -> memref<1x128xi32, #tpu.memory_space<vmem>>
      %dma_wait3A_96 = tpu.memref_squeeze %dma_wait3A_95 : memref<1x128xi32, #tpu.memory_space<vmem>> -> memref<128xi32, #tpu.memory_space<vmem>>
      %dma_wait3A_97 = arith.constant 0 : i32
      %dma_wait3A_98 = arith.constant 0 : i32
      %dma_wait3A_99 = tpu.memref_slice %arg8[%dma_wait3A_97, %dma_wait3A_98] : memref<760x64xf32, #tpu.memory_space<vmem_shared>> -> memref<760x64xf32, #tpu.memory_space<vmem_shared>>
      tpu.wait_indirect_dma semaphore(%run_scoped3A_83 : memref<!tpu.dma_semaphore, #tpu.memory_space<semaphore_mem>>) src(%dma_wait3A_93 : memref<128x64xf32, #tpu.memory_space<vmem>>) dst(%dma_wait3A_99 : memref<760x64xf32, #tpu.memory_space<vmem_shared>>)
      tpu.yield
    }) : () -> ()
    %mul3A_56 = arith.constant 2048 : i32
    %mul3A_57 = arith.muli %add3A, %mul3A_56 : i32
    %add3A_58 = arith.constant 1280 : i32
    %add3A_59 = arith.addi %mul3A_57, %add3A_58 : i32
    %multiple_of3A_60 = tpu.assume_multiple %add3A_59, 256 : i32
    "tpu.region"() ({
      %run_scoped3A_83 = tpu.sem_alloc : memref<!tpu.dma_semaphore, #tpu.memory_space<semaphore_mem>>
      %dma_start3A = arith.constant 0 : i32
      %dma_start3A_84 = tpu.memref_slice %arg2[%multiple_of3A_60, %dma_start3A] : memref<65536x64xf32, #tpu.memory_space<hbm>> -> memref<256x64xf32, #tpu.memory_space<hbm>>
      %dma_start3A_85 = arith.constant 0 : i32
      %dma_start3A_86 = tpu.memref_slice %arg2[%multiple_of3A_60, %dma_start3A_85] : memref<65536x64xf32, #tpu.memory_space<hbm>> -> memref<256x64xf32, #tpu.memory_space<hbm>>
      tpu.enqueue_dma source(%dma_start3A_86 : memref<256x64xf32, #tpu.memory_space<hbm>>) target(%arg6 : memref<256x64xf32, #tpu.memory_space<vmem>>) target_semaphore(%run_scoped3A_83 : memref<!tpu.dma_semaphore, #tpu.memory_space<semaphore_mem>>)
      %dma_wait3A = arith.constant 0 : i32
      %dma_wait3A_87 = tpu.memref_slice %arg2[%multiple_of3A_60, %dma_wait3A] : memref<65536x64xf32, #tpu.memory_space<hbm>> -> memref<256x64xf32, #tpu.memory_space<hbm>>
      %dma_wait3A_88 = arith.constant 0 : i32
      %dma_wait3A_89 = tpu.memref_slice %arg2[%multiple_of3A_60, %dma_wait3A_88] : memref<65536x64xf32, #tpu.memory_space<hbm>> -> memref<256x64xf32, #tpu.memory_space<hbm>>
      tpu.wait_dma2 semaphore(%run_scoped3A_83 : memref<!tpu.dma_semaphore, #tpu.memory_space<semaphore_mem>>) src(%dma_wait3A_89 : memref<256x64xf32, #tpu.memory_space<hbm>>) dst(%arg6 : memref<256x64xf32, #tpu.memory_space<vmem>>)
      tpu.yield
    }) : () -> ()
    %run_scoped3A_61 = arith.constant 10 : i32
    "tpu.region"() ({
      %run_scoped3A_83 = tpu.sem_alloc : memref<!tpu.dma_semaphore, #tpu.memory_space<semaphore_mem>>
      %dma_start3A = arith.constant 0 : i32
      %dma_start3A_84 = arith.constant 0 : i32
      %dma_start3A_85 = tpu.memref_slice %arg6[%dma_start3A, %dma_start3A_84] : memref<256x64xf32, #tpu.memory_space<vmem>> -> memref<128x64xf32, #tpu.memory_space<vmem>>
      %dma_start3A_86 = arith.constant 0 : i32
      %dma_start3A_87 = tpu.memref_slice %arg7[%run_scoped3A_61, %dma_start3A_86] : memref<16x128xi32, #tpu.memory_space<vmem>> -> memref<1x128xi32, #tpu.memory_space<vmem>>
      %dma_start3A_88 = tpu.memref_squeeze %dma_start3A_87 : memref<1x128xi32, #tpu.memory_space<vmem>> -> memref<128xi32, #tpu.memory_space<vmem>>
      %dma_start3A_89 = arith.constant 0 : i32
      %dma_start3A_90 = arith.constant 0 : i32
      %dma_start3A_91 = tpu.memref_slice %arg8[%dma_start3A_89, %dma_start3A_90] : memref<760x64xf32, #tpu.memory_space<vmem_shared>> -> memref<760x64xf32, #tpu.memory_space<vmem_shared>>
      tpu.enqueue_indirect_dma source(%dma_start3A_85 : memref<128x64xf32, #tpu.memory_space<vmem>>) target(%dma_start3A_91 : memref<760x64xf32, #tpu.memory_space<vmem_shared>>) offsets(%dma_start3A_88 : memref<128xi32, #tpu.memory_space<vmem>>) semaphore(%run_scoped3A_83 : memref<!tpu.dma_semaphore, #tpu.memory_space<semaphore_mem>>) {add = true}
      %dma_wait3A = arith.constant 0 : i32
      %dma_wait3A_92 = arith.constant 0 : i32
      %dma_wait3A_93 = tpu.memref_slice %arg6[%dma_wait3A, %dma_wait3A_92] : memref<256x64xf32, #tpu.memory_space<vmem>> -> memref<128x64xf32, #tpu.memory_space<vmem>>
      %dma_wait3A_94 = arith.constant 0 : i32
      %dma_wait3A_95 = tpu.memref_slice %arg7[%run_scoped3A_61, %dma_wait3A_94] : memref<16x128xi32, #tpu.memory_space<vmem>> -> memref<1x128xi32, #tpu.memory_space<vmem>>
      %dma_wait3A_96 = tpu.memref_squeeze %dma_wait3A_95 : memref<1x128xi32, #tpu.memory_space<vmem>> -> memref<128xi32, #tpu.memory_space<vmem>>
      %dma_wait3A_97 = arith.constant 0 : i32
      %dma_wait3A_98 = arith.constant 0 : i32
      %dma_wait3A_99 = tpu.memref_slice %arg8[%dma_wait3A_97, %dma_wait3A_98] : memref<760x64xf32, #tpu.memory_space<vmem_shared>> -> memref<760x64xf32, #tpu.memory_space<vmem_shared>>
      tpu.wait_indirect_dma semaphore(%run_scoped3A_83 : memref<!tpu.dma_semaphore, #tpu.memory_space<semaphore_mem>>) src(%dma_wait3A_93 : memref<128x64xf32, #tpu.memory_space<vmem>>) dst(%dma_wait3A_99 : memref<760x64xf32, #tpu.memory_space<vmem_shared>>)
      tpu.yield
    }) : () -> ()
    %run_scoped3A_62 = arith.constant 11 : i32
    "tpu.region"() ({
      %run_scoped3A_83 = tpu.sem_alloc : memref<!tpu.dma_semaphore, #tpu.memory_space<semaphore_mem>>
      %dma_start3A = arith.constant 128 : i32
      %dma_start3A_84 = arith.constant 0 : i32
      %dma_start3A_85 = tpu.memref_slice %arg6[%dma_start3A, %dma_start3A_84] : memref<256x64xf32, #tpu.memory_space<vmem>> -> memref<128x64xf32, #tpu.memory_space<vmem>>
      %dma_start3A_86 = arith.constant 0 : i32
      %dma_start3A_87 = tpu.memref_slice %arg7[%run_scoped3A_62, %dma_start3A_86] : memref<16x128xi32, #tpu.memory_space<vmem>> -> memref<1x128xi32, #tpu.memory_space<vmem>>
      %dma_start3A_88 = tpu.memref_squeeze %dma_start3A_87 : memref<1x128xi32, #tpu.memory_space<vmem>> -> memref<128xi32, #tpu.memory_space<vmem>>
      %dma_start3A_89 = arith.constant 0 : i32
      %dma_start3A_90 = arith.constant 0 : i32
      %dma_start3A_91 = tpu.memref_slice %arg8[%dma_start3A_89, %dma_start3A_90] : memref<760x64xf32, #tpu.memory_space<vmem_shared>> -> memref<760x64xf32, #tpu.memory_space<vmem_shared>>
      tpu.enqueue_indirect_dma source(%dma_start3A_85 : memref<128x64xf32, #tpu.memory_space<vmem>>) target(%dma_start3A_91 : memref<760x64xf32, #tpu.memory_space<vmem_shared>>) offsets(%dma_start3A_88 : memref<128xi32, #tpu.memory_space<vmem>>) semaphore(%run_scoped3A_83 : memref<!tpu.dma_semaphore, #tpu.memory_space<semaphore_mem>>) {add = true}
      %dma_wait3A = arith.constant 128 : i32
      %dma_wait3A_92 = arith.constant 0 : i32
      %dma_wait3A_93 = tpu.memref_slice %arg6[%dma_wait3A, %dma_wait3A_92] : memref<256x64xf32, #tpu.memory_space<vmem>> -> memref<128x64xf32, #tpu.memory_space<vmem>>
      %dma_wait3A_94 = arith.constant 0 : i32
      %dma_wait3A_95 = tpu.memref_slice %arg7[%run_scoped3A_62, %dma_wait3A_94] : memref<16x128xi32, #tpu.memory_space<vmem>> -> memref<1x128xi32, #tpu.memory_space<vmem>>
      %dma_wait3A_96 = tpu.memref_squeeze %dma_wait3A_95 : memref<1x128xi32, #tpu.memory_space<vmem>> -> memref<128xi32, #tpu.memory_space<vmem>>
      %dma_wait3A_97 = arith.constant 0 : i32
      %dma_wait3A_98 = arith.constant 0 : i32
      %dma_wait3A_99 = tpu.memref_slice %arg8[%dma_wait3A_97, %dma_wait3A_98] : memref<760x64xf32, #tpu.memory_space<vmem_shared>> -> memref<760x64xf32, #tpu.memory_space<vmem_shared>>
      tpu.wait_indirect_dma semaphore(%run_scoped3A_83 : memref<!tpu.dma_semaphore, #tpu.memory_space<semaphore_mem>>) src(%dma_wait3A_93 : memref<128x64xf32, #tpu.memory_space<vmem>>) dst(%dma_wait3A_99 : memref<760x64xf32, #tpu.memory_space<vmem_shared>>)
      tpu.yield
    }) : () -> ()
    %mul3A_63 = arith.constant 2048 : i32
    %mul3A_64 = arith.muli %add3A, %mul3A_63 : i32
    %add3A_65 = arith.constant 1536 : i32
    %add3A_66 = arith.addi %mul3A_64, %add3A_65 : i32
    %multiple_of3A_67 = tpu.assume_multiple %add3A_66, 256 : i32
    "tpu.region"() ({
      %run_scoped3A_83 = tpu.sem_alloc : memref<!tpu.dma_semaphore, #tpu.memory_space<semaphore_mem>>
      %dma_start3A = arith.constant 0 : i32
      %dma_start3A_84 = tpu.memref_slice %arg2[%multiple_of3A_67, %dma_start3A] : memref<65536x64xf32, #tpu.memory_space<hbm>> -> memref<256x64xf32, #tpu.memory_space<hbm>>
      %dma_start3A_85 = arith.constant 0 : i32
      %dma_start3A_86 = tpu.memref_slice %arg2[%multiple_of3A_67, %dma_start3A_85] : memref<65536x64xf32, #tpu.memory_space<hbm>> -> memref<256x64xf32, #tpu.memory_space<hbm>>
      tpu.enqueue_dma source(%dma_start3A_86 : memref<256x64xf32, #tpu.memory_space<hbm>>) target(%arg6 : memref<256x64xf32, #tpu.memory_space<vmem>>) target_semaphore(%run_scoped3A_83 : memref<!tpu.dma_semaphore, #tpu.memory_space<semaphore_mem>>)
      %dma_wait3A = arith.constant 0 : i32
      %dma_wait3A_87 = tpu.memref_slice %arg2[%multiple_of3A_67, %dma_wait3A] : memref<65536x64xf32, #tpu.memory_space<hbm>> -> memref<256x64xf32, #tpu.memory_space<hbm>>
      %dma_wait3A_88 = arith.constant 0 : i32
      %dma_wait3A_89 = tpu.memref_slice %arg2[%multiple_of3A_67, %dma_wait3A_88] : memref<65536x64xf32, #tpu.memory_space<hbm>> -> memref<256x64xf32, #tpu.memory_space<hbm>>
      tpu.wait_dma2 semaphore(%run_scoped3A_83 : memref<!tpu.dma_semaphore, #tpu.memory_space<semaphore_mem>>) src(%dma_wait3A_89 : memref<256x64xf32, #tpu.memory_space<hbm>>) dst(%arg6 : memref<256x64xf32, #tpu.memory_space<vmem>>)
      tpu.yield
    }) : () -> ()
    %run_scoped3A_68 = arith.constant 12 : i32
    "tpu.region"() ({
      %run_scoped3A_83 = tpu.sem_alloc : memref<!tpu.dma_semaphore, #tpu.memory_space<semaphore_mem>>
      %dma_start3A = arith.constant 0 : i32
      %dma_start3A_84 = arith.constant 0 : i32
      %dma_start3A_85 = tpu.memref_slice %arg6[%dma_start3A, %dma_start3A_84] : memref<256x64xf32, #tpu.memory_space<vmem>> -> memref<128x64xf32, #tpu.memory_space<vmem>>
      %dma_start3A_86 = arith.constant 0 : i32
      %dma_start3A_87 = tpu.memref_slice %arg7[%run_scoped3A_68, %dma_start3A_86] : memref<16x128xi32, #tpu.memory_space<vmem>> -> memref<1x128xi32, #tpu.memory_space<vmem>>
      %dma_start3A_88 = tpu.memref_squeeze %dma_start3A_87 : memref<1x128xi32, #tpu.memory_space<vmem>> -> memref<128xi32, #tpu.memory_space<vmem>>
      %dma_start3A_89 = arith.constant 0 : i32
      %dma_start3A_90 = arith.constant 0 : i32
      %dma_start3A_91 = tpu.memref_slice %arg8[%dma_start3A_89, %dma_start3A_90] : memref<760x64xf32, #tpu.memory_space<vmem_shared>> -> memref<760x64xf32, #tpu.memory_space<vmem_shared>>
      tpu.enqueue_indirect_dma source(%dma_start3A_85 : memref<128x64xf32, #tpu.memory_space<vmem>>) target(%dma_start3A_91 : memref<760x64xf32, #tpu.memory_space<vmem_shared>>) offsets(%dma_start3A_88 : memref<128xi32, #tpu.memory_space<vmem>>) semaphore(%run_scoped3A_83 : memref<!tpu.dma_semaphore, #tpu.memory_space<semaphore_mem>>) {add = true}
      %dma_wait3A = arith.constant 0 : i32
      %dma_wait3A_92 = arith.constant 0 : i32
      %dma_wait3A_93 = tpu.memref_slice %arg6[%dma_wait3A, %dma_wait3A_92] : memref<256x64xf32, #tpu.memory_space<vmem>> -> memref<128x64xf32, #tpu.memory_space<vmem>>
      %dma_wait3A_94 = arith.constant 0 : i32
      %dma_wait3A_95 = tpu.memref_slice %arg7[%run_scoped3A_68, %dma_wait3A_94] : memref<16x128xi32, #tpu.memory_space<vmem>> -> memref<1x128xi32, #tpu.memory_space<vmem>>
      %dma_wait3A_96 = tpu.memref_squeeze %dma_wait3A_95 : memref<1x128xi32, #tpu.memory_space<vmem>> -> memref<128xi32, #tpu.memory_space<vmem>>
      %dma_wait3A_97 = arith.constant 0 : i32
      %dma_wait3A_98 = arith.constant 0 : i32
      %dma_wait3A_99 = tpu.memref_slice %arg8[%dma_wait3A_97, %dma_wait3A_98] : memref<760x64xf32, #tpu.memory_space<vmem_shared>> -> memref<760x64xf32, #tpu.memory_space<vmem_shared>>
      tpu.wait_indirect_dma semaphore(%run_scoped3A_83 : memref<!tpu.dma_semaphore, #tpu.memory_space<semaphore_mem>>) src(%dma_wait3A_93 : memref<128x64xf32, #tpu.memory_space<vmem>>) dst(%dma_wait3A_99 : memref<760x64xf32, #tpu.memory_space<vmem_shared>>)
      tpu.yield
    }) : () -> ()
    %run_scoped3A_69 = arith.constant 13 : i32
    "tpu.region"() ({
      %run_scoped3A_83 = tpu.sem_alloc : memref<!tpu.dma_semaphore, #tpu.memory_space<semaphore_mem>>
      %dma_start3A = arith.constant 128 : i32
      %dma_start3A_84 = arith.constant 0 : i32
      %dma_start3A_85 = tpu.memref_slice %arg6[%dma_start3A, %dma_start3A_84] : memref<256x64xf32, #tpu.memory_space<vmem>> -> memref<128x64xf32, #tpu.memory_space<vmem>>
      %dma_start3A_86 = arith.constant 0 : i32
      %dma_start3A_87 = tpu.memref_slice %arg7[%run_scoped3A_69, %dma_start3A_86] : memref<16x128xi32, #tpu.memory_space<vmem>> -> memref<1x128xi32, #tpu.memory_space<vmem>>
      %dma_start3A_88 = tpu.memref_squeeze %dma_start3A_87 : memref<1x128xi32, #tpu.memory_space<vmem>> -> memref<128xi32, #tpu.memory_space<vmem>>
      %dma_start3A_89 = arith.constant 0 : i32
      %dma_start3A_90 = arith.constant 0 : i32
      %dma_start3A_91 = tpu.memref_slice %arg8[%dma_start3A_89, %dma_start3A_90] : memref<760x64xf32, #tpu.memory_space<vmem_shared>> -> memref<760x64xf32, #tpu.memory_space<vmem_shared>>
      tpu.enqueue_indirect_dma source(%dma_start3A_85 : memref<128x64xf32, #tpu.memory_space<vmem>>) target(%dma_start3A_91 : memref<760x64xf32, #tpu.memory_space<vmem_shared>>) offsets(%dma_start3A_88 : memref<128xi32, #tpu.memory_space<vmem>>) semaphore(%run_scoped3A_83 : memref<!tpu.dma_semaphore, #tpu.memory_space<semaphore_mem>>) {add = true}
      %dma_wait3A = arith.constant 128 : i32
      %dma_wait3A_92 = arith.constant 0 : i32
      %dma_wait3A_93 = tpu.memref_slice %arg6[%dma_wait3A, %dma_wait3A_92] : memref<256x64xf32, #tpu.memory_space<vmem>> -> memref<128x64xf32, #tpu.memory_space<vmem>>
      %dma_wait3A_94 = arith.constant 0 : i32
      %dma_wait3A_95 = tpu.memref_slice %arg7[%run_scoped3A_69, %dma_wait3A_94] : memref<16x128xi32, #tpu.memory_space<vmem>> -> memref<1x128xi32, #tpu.memory_space<vmem>>
      %dma_wait3A_96 = tpu.memref_squeeze %dma_wait3A_95 : memref<1x128xi32, #tpu.memory_space<vmem>> -> memref<128xi32, #tpu.memory_space<vmem>>
      %dma_wait3A_97 = arith.constant 0 : i32
      %dma_wait3A_98 = arith.constant 0 : i32
      %dma_wait3A_99 = tpu.memref_slice %arg8[%dma_wait3A_97, %dma_wait3A_98] : memref<760x64xf32, #tpu.memory_space<vmem_shared>> -> memref<760x64xf32, #tpu.memory_space<vmem_shared>>
      tpu.wait_indirect_dma semaphore(%run_scoped3A_83 : memref<!tpu.dma_semaphore, #tpu.memory_space<semaphore_mem>>) src(%dma_wait3A_93 : memref<128x64xf32, #tpu.memory_space<vmem>>) dst(%dma_wait3A_99 : memref<760x64xf32, #tpu.memory_space<vmem_shared>>)
      tpu.yield
    }) : () -> ()
    %mul3A_70 = arith.constant 2048 : i32
    %mul3A_71 = arith.muli %add3A, %mul3A_70 : i32
    %add3A_72 = arith.constant 1792 : i32
    %add3A_73 = arith.addi %mul3A_71, %add3A_72 : i32
    %multiple_of3A_74 = tpu.assume_multiple %add3A_73, 256 : i32
    "tpu.region"() ({
      %run_scoped3A_83 = tpu.sem_alloc : memref<!tpu.dma_semaphore, #tpu.memory_space<semaphore_mem>>
      %dma_start3A = arith.constant 0 : i32
      %dma_start3A_84 = tpu.memref_slice %arg2[%multiple_of3A_74, %dma_start3A] : memref<65536x64xf32, #tpu.memory_space<hbm>> -> memref<256x64xf32, #tpu.memory_space<hbm>>
      %dma_start3A_85 = arith.constant 0 : i32
      %dma_start3A_86 = tpu.memref_slice %arg2[%multiple_of3A_74, %dma_start3A_85] : memref<65536x64xf32, #tpu.memory_space<hbm>> -> memref<256x64xf32, #tpu.memory_space<hbm>>
      tpu.enqueue_dma source(%dma_start3A_86 : memref<256x64xf32, #tpu.memory_space<hbm>>) target(%arg6 : memref<256x64xf32, #tpu.memory_space<vmem>>) target_semaphore(%run_scoped3A_83 : memref<!tpu.dma_semaphore, #tpu.memory_space<semaphore_mem>>)
      %dma_wait3A = arith.constant 0 : i32
      %dma_wait3A_87 = tpu.memref_slice %arg2[%multiple_of3A_74, %dma_wait3A] : memref<65536x64xf32, #tpu.memory_space<hbm>> -> memref<256x64xf32, #tpu.memory_space<hbm>>
      %dma_wait3A_88 = arith.constant 0 : i32
      %dma_wait3A_89 = tpu.memref_slice %arg2[%multiple_of3A_74, %dma_wait3A_88] : memref<65536x64xf32, #tpu.memory_space<hbm>> -> memref<256x64xf32, #tpu.memory_space<hbm>>
      tpu.wait_dma2 semaphore(%run_scoped3A_83 : memref<!tpu.dma_semaphore, #tpu.memory_space<semaphore_mem>>) src(%dma_wait3A_89 : memref<256x64xf32, #tpu.memory_space<hbm>>) dst(%arg6 : memref<256x64xf32, #tpu.memory_space<vmem>>)
      tpu.yield
    }) : () -> ()
    %run_scoped3A_75 = arith.constant 14 : i32
    "tpu.region"() ({
      %run_scoped3A_83 = tpu.sem_alloc : memref<!tpu.dma_semaphore, #tpu.memory_space<semaphore_mem>>
      %dma_start3A = arith.constant 0 : i32
      %dma_start3A_84 = arith.constant 0 : i32
      %dma_start3A_85 = tpu.memref_slice %arg6[%dma_start3A, %dma_start3A_84] : memref<256x64xf32, #tpu.memory_space<vmem>> -> memref<128x64xf32, #tpu.memory_space<vmem>>
      %dma_start3A_86 = arith.constant 0 : i32
      %dma_start3A_87 = tpu.memref_slice %arg7[%run_scoped3A_75, %dma_start3A_86] : memref<16x128xi32, #tpu.memory_space<vmem>> -> memref<1x128xi32, #tpu.memory_space<vmem>>
      %dma_start3A_88 = tpu.memref_squeeze %dma_start3A_87 : memref<1x128xi32, #tpu.memory_space<vmem>> -> memref<128xi32, #tpu.memory_space<vmem>>
      %dma_start3A_89 = arith.constant 0 : i32
      %dma_start3A_90 = arith.constant 0 : i32
      %dma_start3A_91 = tpu.memref_slice %arg8[%dma_start3A_89, %dma_start3A_90] : memref<760x64xf32, #tpu.memory_space<vmem_shared>> -> memref<760x64xf32, #tpu.memory_space<vmem_shared>>
      tpu.enqueue_indirect_dma source(%dma_start3A_85 : memref<128x64xf32, #tpu.memory_space<vmem>>) target(%dma_start3A_91 : memref<760x64xf32, #tpu.memory_space<vmem_shared>>) offsets(%dma_start3A_88 : memref<128xi32, #tpu.memory_space<vmem>>) semaphore(%run_scoped3A_83 : memref<!tpu.dma_semaphore, #tpu.memory_space<semaphore_mem>>) {add = true}
      %dma_wait3A = arith.constant 0 : i32
      %dma_wait3A_92 = arith.constant 0 : i32
      %dma_wait3A_93 = tpu.memref_slice %arg6[%dma_wait3A, %dma_wait3A_92] : memref<256x64xf32, #tpu.memory_space<vmem>> -> memref<128x64xf32, #tpu.memory_space<vmem>>
      %dma_wait3A_94 = arith.constant 0 : i32
      %dma_wait3A_95 = tpu.memref_slice %arg7[%run_scoped3A_75, %dma_wait3A_94] : memref<16x128xi32, #tpu.memory_space<vmem>> -> memref<1x128xi32, #tpu.memory_space<vmem>>
      %dma_wait3A_96 = tpu.memref_squeeze %dma_wait3A_95 : memref<1x128xi32, #tpu.memory_space<vmem>> -> memref<128xi32, #tpu.memory_space<vmem>>
      %dma_wait3A_97 = arith.constant 0 : i32
      %dma_wait3A_98 = arith.constant 0 : i32
      %dma_wait3A_99 = tpu.memref_slice %arg8[%dma_wait3A_97, %dma_wait3A_98] : memref<760x64xf32, #tpu.memory_space<vmem_shared>> -> memref<760x64xf32, #tpu.memory_space<vmem_shared>>
      tpu.wait_indirect_dma semaphore(%run_scoped3A_83 : memref<!tpu.dma_semaphore, #tpu.memory_space<semaphore_mem>>) src(%dma_wait3A_93 : memref<128x64xf32, #tpu.memory_space<vmem>>) dst(%dma_wait3A_99 : memref<760x64xf32, #tpu.memory_space<vmem_shared>>)
      tpu.yield
    }) : () -> ()
    %run_scoped3A_76 = arith.constant 15 : i32
    "tpu.region"() ({
      %run_scoped3A_83 = tpu.sem_alloc : memref<!tpu.dma_semaphore, #tpu.memory_space<semaphore_mem>>
      %dma_start3A = arith.constant 128 : i32
      %dma_start3A_84 = arith.constant 0 : i32
      %dma_start3A_85 = tpu.memref_slice %arg6[%dma_start3A, %dma_start3A_84] : memref<256x64xf32, #tpu.memory_space<vmem>> -> memref<128x64xf32, #tpu.memory_space<vmem>>
      %dma_start3A_86 = arith.constant 0 : i32
      %dma_start3A_87 = tpu.memref_slice %arg7[%run_scoped3A_76, %dma_start3A_86] : memref<16x128xi32, #tpu.memory_space<vmem>> -> memref<1x128xi32, #tpu.memory_space<vmem>>
      %dma_start3A_88 = tpu.memref_squeeze %dma_start3A_87 : memref<1x128xi32, #tpu.memory_space<vmem>> -> memref<128xi32, #tpu.memory_space<vmem>>
      %dma_start3A_89 = arith.constant 0 : i32
      %dma_start3A_90 = arith.constant 0 : i32
      %dma_start3A_91 = tpu.memref_slice %arg8[%dma_start3A_89, %dma_start3A_90] : memref<760x64xf32, #tpu.memory_space<vmem_shared>> -> memref<760x64xf32, #tpu.memory_space<vmem_shared>>
      tpu.enqueue_indirect_dma source(%dma_start3A_85 : memref<128x64xf32, #tpu.memory_space<vmem>>) target(%dma_start3A_91 : memref<760x64xf32, #tpu.memory_space<vmem_shared>>) offsets(%dma_start3A_88 : memref<128xi32, #tpu.memory_space<vmem>>) semaphore(%run_scoped3A_83 : memref<!tpu.dma_semaphore, #tpu.memory_space<semaphore_mem>>) {add = true}
      %dma_wait3A = arith.constant 128 : i32
      %dma_wait3A_92 = arith.constant 0 : i32
      %dma_wait3A_93 = tpu.memref_slice %arg6[%dma_wait3A, %dma_wait3A_92] : memref<256x64xf32, #tpu.memory_space<vmem>> -> memref<128x64xf32, #tpu.memory_space<vmem>>
      %dma_wait3A_94 = arith.constant 0 : i32
      %dma_wait3A_95 = tpu.memref_slice %arg7[%run_scoped3A_76, %dma_wait3A_94] : memref<16x128xi32, #tpu.memory_space<vmem>> -> memref<1x128xi32, #tpu.memory_space<vmem>>
      %dma_wait3A_96 = tpu.memref_squeeze %dma_wait3A_95 : memref<1x128xi32, #tpu.memory_space<vmem>> -> memref<128xi32, #tpu.memory_space<vmem>>
      %dma_wait3A_97 = arith.constant 0 : i32
      %dma_wait3A_98 = arith.constant 0 : i32
      %dma_wait3A_99 = tpu.memref_slice %arg8[%dma_wait3A_97, %dma_wait3A_98] : memref<760x64xf32, #tpu.memory_space<vmem_shared>> -> memref<760x64xf32, #tpu.memory_space<vmem_shared>>
      tpu.wait_indirect_dma semaphore(%run_scoped3A_83 : memref<!tpu.dma_semaphore, #tpu.memory_space<semaphore_mem>>) src(%dma_wait3A_93 : memref<128x64xf32, #tpu.memory_space<vmem>>) dst(%dma_wait3A_99 : memref<760x64xf32, #tpu.memory_space<vmem_shared>>)
      tpu.yield
    }) : () -> ()
    %barrier3A_77 = arith.constant 0 : index
    tpu.barrier barrier_id(%barrier3A_77)
    %eq3A_78 = arith.constant 0 : i32
    %eq3A_79 = arith.cmpi eq, %arg1, %eq3A_78 : i32
    %convert_element_type3A_80 = arith.extui %eq3A_79 : i1 to i32
    %cond3A_81 = arith.constant 0 : i32
    %cond3A_82 = arith.cmpi ne, %convert_element_type3A_80, %cond3A_81 : i32
    scf.if %cond3A_82 {
      "tpu.region"() ({
        %run_scoped3A_83 = tpu.sem_alloc : memref<!tpu.dma_semaphore, #tpu.memory_space<semaphore_mem>>
        %dma_start3A = arith.constant 0 : i32
        %dma_start3A_84 = arith.constant 0 : i32
        %dma_start3A_85 = tpu.memref_slice %arg5[%arg0, %dma_start3A, %dma_start3A_84] : memref<2x760x64xf32, #tpu.memory_space<hbm>> -> memref<1x760x64xf32, #tpu.memory_space<hbm>>
        %dma_start3A_86 = tpu.memref_squeeze %dma_start3A_85 : memref<1x760x64xf32, #tpu.memory_space<hbm>> -> memref<760x64xf32, #tpu.memory_space<hbm>>
        tpu.enqueue_dma source(%arg8 : memref<760x64xf32, #tpu.memory_space<vmem_shared>>) target(%dma_start3A_86 : memref<760x64xf32, #tpu.memory_space<hbm>>) target_semaphore(%run_scoped3A_83 : memref<!tpu.dma_semaphore, #tpu.memory_space<semaphore_mem>>)
        %dma_wait3A = arith.constant 0 : i32
        %dma_wait3A_87 = arith.constant 0 : i32
        %dma_wait3A_88 = tpu.memref_slice %arg5[%arg0, %dma_wait3A, %dma_wait3A_87] : memref<2x760x64xf32, #tpu.memory_space<hbm>> -> memref<1x760x64xf32, #tpu.memory_space<hbm>>
        %dma_wait3A_89 = tpu.memref_squeeze %dma_wait3A_88 : memref<1x760x64xf32, #tpu.memory_space<hbm>> -> memref<760x64xf32, #tpu.memory_space<hbm>>
        tpu.wait_dma2 semaphore(%run_scoped3A_83 : memref<!tpu.dma_semaphore, #tpu.memory_space<semaphore_mem>>) src(%arg8 : memref<760x64xf32, #tpu.memory_space<vmem_shared>>) dst(%dma_wait3A_89 : memref<760x64xf32, #tpu.memory_space<hbm>>)
        tpu.yield
      }) : () -> ()
    } else {
    }
    return
  }
}

module attributes {stable_mosaic.version = 14 : i64} {
  func.func @_k1_body(%arg0: i32, %arg1: memref<768x64xf32, #tpu.memory_space<vmem>>, %arg2: memref<1024x64xf32, #tpu.memory_space<vmem>>, %arg3: memref<1x1024xi32, #tpu.memory_space<vmem>>, %arg4: memref<1x1024xi32, #tpu.memory_space<vmem>>, %arg5: memref<40x1024xf32, #tpu.memory_space<vmem>>, %arg6: memref<40x1024xf32, #tpu.memory_space<vmem>>, %arg7: memref<1x1024xi32, #tpu.memory_space<vmem>>, %arg8: memref<1x1024xf32, #tpu.memory_space<vmem>>, %arg9: memref<1024x64xf32, #tpu.memory_space<vmem>>) attributes {dimension_semantics = [#tpu.dimension_semantics<arbitrary>], iteration_bounds = array<i64: 64>, scalar_prefetch = 0 : i64, scratch_operands = 0 : i64, tpu.core_type = #tpu.core_type<tc>, window_params = [{pipeline_mode = #tpu.pipeline_mode<synchronous>, transform_indices = @transform_0, window_bounds = array<i64: 768, 64>}, {transform_indices = @transform_1, window_bounds = array<i64: 1024, 64>}, {transform_indices = @transform_2, window_bounds = array<i64: 1, 1024>}, {transform_indices = @transform_3, window_bounds = array<i64: 1, 1024>}, {transform_indices = @transform_4, window_bounds = array<i64: 40, 1024>}, {transform_indices = @transform_5, window_bounds = array<i64: 40, 1024>}, {transform_indices = @transform_6, window_bounds = array<i64: 1, 1024>}, {transform_indices = @transform_7, window_bounds = array<i64: 1, 1024>}, {transform_indices = @transform_8, window_bounds = array<i64: 1024, 64>}]} {
    %get3A = arith.constant 0 : index
    %get3A_0 = arith.constant 0 : index
    %get3A_1 = vector.load %arg2[%get3A, %get3A_0] : memref<1024x64xf32, #tpu.memory_space<vmem>>, vector<1024x64xf32>
    %mul3A = arith.mulf %get3A_1, %get3A_1 : vector<1024x64xf32>
    %reduce_sum3A = arith.constant dense<0.000000e+00> : vector<1024xf32>
    %reduce_sum3A_2 = vector.multi_reduction <add>, %mul3A, %reduce_sum3A [1] : vector<1024x64xf32> to vector<1024xf32>
    %broadcast_in_dim3A = vector.shape_cast %reduce_sum3A_2 : vector<1024xf32> to vector<1024x1xf32>
    %sqrt3A = math.sqrt %broadcast_in_dim3A : vector<1024x1xf32>
    %max3A = arith.constant 9.99999996E-13 : f32
    %max3A_3 = vector.broadcast %max3A : f32 to vector<1024x1xf32>
    %max3A_4 = arith.maximumf %sqrt3A, %max3A_3 : vector<1024x1xf32>
    %div3A = vector.broadcast %max3A_4 : vector<1024x1xf32> to vector<1024x64xf32>
    %div3A_5 = arith.divf %get3A_1, %div3A : vector<1024x64xf32>
    %swap3A = arith.constant 0 : index
    %swap3A_6 = arith.constant 0 : index
    %swap3A_7 = vector.load %arg9[%swap3A, %swap3A_6] : memref<1024x64xf32, #tpu.memory_space<vmem>>, vector<1024x64xf32>
    tpu.vector_store %arg9[%swap3A, %swap3A_6], %div3A_5 {strides = array<i32>} : memref<1024x64xf32, #tpu.memory_space<vmem>>, vector<1024x64xf32>,
    %get3A_8 = arith.constant 0 : index
    %get3A_9 = arith.constant 0 : index
    %get3A_10 = vector.load %arg3[%get3A_8, %get3A_9] : memref<1x1024xi32, #tpu.memory_space<vmem>>, vector<1x1024xi32>
    %get3A_11 = arith.constant 0 : index
    %get3A_12 = arith.constant 0 : index
    %get3A_13 = vector.load %arg4[%get3A_11, %get3A_12] : memref<1x1024xi32, #tpu.memory_space<vmem>>, vector<1x1024xi32>
    %ne3A = arith.constant 255 : i32
    %ne3A_14 = vector.broadcast %ne3A : i32 to vector<1x1024xi32>
    %ne3A_15 = arith.cmpi ne, %get3A_10, %ne3A_14 : vector<1x1024xi32>
    %ne3A_16 = arith.constant 255 : i32
    %ne3A_17 = vector.broadcast %ne3A_16 : i32 to vector<1x1024xi32>
    %ne3A_18 = arith.cmpi ne, %get3A_13, %ne3A_17 : vector<1x1024xi32>
    %and3A = arith.andi %ne3A_15, %ne3A_18 : vector<1x1024xi1>
    %jit3A = arith.constant 0 : i32
    %broadcast_in_dim3A_19 = vector.broadcast %jit3A : i32 to vector<1x1024xi32>
    %select_n3A = arith.select %and3A, %get3A_10, %broadcast_in_dim3A_19 : vector<1x1024xi1>, vector<1x1024xi32>
    %swap3A_20 = arith.constant 0 : index
    %swap3A_21 = arith.constant 0 : index
    %swap3A_22 = vector.load %arg7[%swap3A_20, %swap3A_21] : memref<1x1024xi32, #tpu.memory_space<vmem>>, vector<1x1024xi32>
    tpu.vector_store %arg7[%swap3A_20, %swap3A_21], %select_n3A {strides = array<i32>} : memref<1x1024xi32, #tpu.memory_space<vmem>>, vector<1x1024xi32>,
    %convert_element_type3A = arith.extui %and3A : vector<1x1024xi1> to vector<1x1024xi32>
    %convert_element_type3A_23 = arith.sitofp %convert_element_type3A : vector<1x1024xi32> to vector<1x1024xf32>
    %swap3A_24 = arith.constant 0 : index
    %swap3A_25 = arith.constant 0 : index
    %swap3A_26 = vector.load %arg8[%swap3A_24, %swap3A_25] : memref<1x1024xf32, #tpu.memory_space<vmem>>, vector<1x1024xf32>
    tpu.vector_store %arg8[%swap3A_24, %swap3A_25], %convert_element_type3A_23 {strides = array<i32>} : memref<1x1024xf32, #tpu.memory_space<vmem>>, vector<1x1024xf32>,
    %get3A_27 = arith.constant 0 : index
    %get3A_28 = arith.constant 0 : index
    %get3A_29 = vector.load %arg1[%get3A_27, %get3A_28] : memref<768x64xf32, #tpu.memory_space<vmem>>, vector<768x64xf32>
    %dot_general3A = arith.constant dense<0.000000e+00> : vector<768x1024xf32>
    %dot_general3A_30 = tpu.matmul %get3A_29, %div3A_5, %dot_general3A {dimension_numbers = #tpu.dot_dimension_numbers<[1], [1], [0], [0], [0, 0, 1, 0], [], []>, transpose_lhs_hint = false} : vector<768x64xf32>, vector<1024x64xf32>, vector<768x1024xf32> -> vector<768x1024xf32>
    %iota3A = tpu.iota {dimensions = array<i32: 0>} : vector<768x1024xi32>
    %lt3A = arith.constant 760 : i32
    %lt3A_31 = vector.broadcast %lt3A : i32 to vector<768x1024xi32>
    %lt3A_32 = arith.cmpi slt, %iota3A, %lt3A_31 : vector<768x1024xi32>
    %jit3A_33 = arith.constant -1.000000e+30 : f32
    %broadcast_in_dim3A_34 = vector.broadcast %jit3A_33 : f32 to vector<768x1024xf32>
    %select_n3A_35 = arith.select %lt3A_32, %dot_general3A_30, %broadcast_in_dim3A_34 : vector<768x1024xi1>, vector<768x1024xf32>
    %reduce_max3A = arith.constant dense<0xFF800000> : vector<1024xf32>
    %reduce_max3A_36 = vector.multi_reduction <maximumf>, %select_n3A_35, %reduce_max3A [0] : vector<768x1024xf32> to vector<1024xf32>
    %broadcast_in_dim3A_37 = vector.shape_cast %reduce_max3A_36 : vector<1024xf32> to vector<1x1024xf32>
    %sub3A = vector.broadcast %broadcast_in_dim3A_37 : vector<1x1024xf32> to vector<768x1024xf32>
    %sub3A_38 = arith.subf %select_n3A_35, %sub3A : vector<768x1024xf32>
    %mul3A_39 = arith.constant 1.000000e+01 : f32
    %mul3A_40 = vector.broadcast %mul3A_39 : f32 to vector<768x1024xf32>
    %mul3A_41 = arith.mulf %sub3A_38, %mul3A_40 : vector<768x1024xf32>
    %exp3A = math.exp %mul3A_41 : vector<768x1024xf32>
    %jit3A_42 = arith.constant 0.000000e+00 : f32
    %broadcast_in_dim3A_43 = vector.broadcast %jit3A_42 : f32 to vector<768x1024xf32>
    %select_n3A_44 = arith.select %lt3A_32, %exp3A, %broadcast_in_dim3A_43 : vector<768x1024xi1>, vector<768x1024xf32>
    %mul3A_45 = arith.constant 1.000000e+01 : f32
    %mul3A_46 = vector.broadcast %mul3A_45 : f32 to vector<1x1024xf32>
    %mul3A_47 = arith.mulf %broadcast_in_dim3A_37, %mul3A_46 : vector<1x1024xf32>
    %reduce_sum3A_48 = arith.constant dense<0.000000e+00> : vector<1024xf32>
    %reduce_sum3A_49 = vector.multi_reduction <add>, %select_n3A_44, %reduce_sum3A_48 [0] : vector<768x1024xf32> to vector<1024xf32>
    %broadcast_in_dim3A_50 = vector.shape_cast %reduce_sum3A_49 : vector<1024xf32> to vector<1x1024xf32>
    %log3A = math.log %broadcast_in_dim3A_50 : vector<1x1024xf32>
    %add3A = arith.addf %mul3A_47, %log3A : vector<1x1024xf32>
    %broadcast_in_dim3A_51 = arith.constant 0.000000e+00 : f32
    %broadcast_in_dim3A_52 = vector.broadcast %broadcast_in_dim3A_51 : f32 to vector<40x1024xf32>
    %eq3A = arith.constant 0 : i32
    %eq3A_53 = vector.broadcast %eq3A : i32 to vector<1x1024xi32>
    %eq3A_54 = arith.cmpi eq, %select_n3A, %eq3A_53 : vector<1x1024xi32>
    %convert_element_type3A_55 = arith.extui %eq3A_54 : vector<1x1024xi1> to vector<1x1024xi32>
    %convert_element_type3A_56 = arith.sitofp %convert_element_type3A_55 : vector<1x1024xi32> to vector<1x1024xf32>
    %slice3A = vector.extract_strided_slice %dot_general3A_30 {offsets = [0, 0], sizes = [40, 1024], strides = [1, 1]} : vector<768x1024xf32> to vector<40x1024xf32>
    %mul3A_57 = vector.broadcast %convert_element_type3A_56 : vector<1x1024xf32> to vector<40x1024xf32>
    %mul3A_58 = arith.mulf %mul3A_57, %slice3A : vector<40x1024xf32>
    %add3A_59 = arith.addf %broadcast_in_dim3A_52, %mul3A_58 : vector<40x1024xf32>
    %eq3A_60 = arith.constant 1 : i32
    %eq3A_61 = vector.broadcast %eq3A_60 : i32 to vector<1x1024xi32>
    %eq3A_62 = arith.cmpi eq, %select_n3A, %eq3A_61 : vector<1x1024xi32>
    %convert_element_type3A_63 = arith.extui %eq3A_62 : vector<1x1024xi1> to vector<1x1024xi32>
    %convert_element_type3A_64 = arith.sitofp %convert_element_type3A_63 : vector<1x1024xi32> to vector<1x1024xf32>
    %slice3A_65 = vector.extract_strided_slice %dot_general3A_30 {offsets = [40, 0], sizes = [40, 1024], strides = [1, 1]} : vector<768x1024xf32> to vector<40x1024xf32>
    %mul3A_66 = vector.broadcast %convert_element_type3A_64 : vector<1x1024xf32> to vector<40x1024xf32>
    %mul3A_67 = arith.mulf %mul3A_66, %slice3A_65 : vector<40x1024xf32>
    %add3A_68 = arith.addf %add3A_59, %mul3A_67 : vector<40x1024xf32>
    %eq3A_69 = arith.constant 2 : i32
    %eq3A_70 = vector.broadcast %eq3A_69 : i32 to vector<1x1024xi32>
    %eq3A_71 = arith.cmpi eq, %select_n3A, %eq3A_70 : vector<1x1024xi32>
    %convert_element_type3A_72 = arith.extui %eq3A_71 : vector<1x1024xi1> to vector<1x1024xi32>
    %convert_element_type3A_73 = arith.sitofp %convert_element_type3A_72 : vector<1x1024xi32> to vector<1x1024xf32>
    %slice3A_74 = vector.extract_strided_slice %dot_general3A_30 {offsets = [80, 0], sizes = [40, 1024], strides = [1, 1]} : vector<768x1024xf32> to vector<40x1024xf32>
    %mul3A_75 = vector.broadcast %convert_element_type3A_73 : vector<1x1024xf32> to vector<40x1024xf32>
    %mul3A_76 = arith.mulf %mul3A_75, %slice3A_74 : vector<40x1024xf32>
    %add3A_77 = arith.addf %add3A_68, %mul3A_76 : vector<40x1024xf32>
    %eq3A_78 = arith.constant 3 : i32
    %eq3A_79 = vector.broadcast %eq3A_78 : i32 to vector<1x1024xi32>
    %eq3A_80 = arith.cmpi eq, %select_n3A, %eq3A_79 : vector<1x1024xi32>
    %convert_element_type3A_81 = arith.extui %eq3A_80 : vector<1x1024xi1> to vector<1x1024xi32>
    %convert_element_type3A_82 = arith.sitofp %convert_element_type3A_81 : vector<1x1024xi32> to vector<1x1024xf32>
    %slice3A_83 = vector.extract_strided_slice %dot_general3A_30 {offsets = [120, 0], sizes = [40, 1024], strides = [1, 1]} : vector<768x1024xf32> to vector<40x1024xf32>
    %mul3A_84 = vector.broadcast %convert_element_type3A_82 : vector<1x1024xf32> to vector<40x1024xf32>
    %mul3A_85 = arith.mulf %mul3A_84, %slice3A_83 : vector<40x1024xf32>
    %add3A_86 = arith.addf %add3A_77, %mul3A_85 : vector<40x1024xf32>
    %eq3A_87 = arith.constant 4 : i32
    %eq3A_88 = vector.broadcast %eq3A_87 : i32 to vector<1x1024xi32>
    %eq3A_89 = arith.cmpi eq, %select_n3A, %eq3A_88 : vector<1x1024xi32>
    %convert_element_type3A_90 = arith.extui %eq3A_89 : vector<1x1024xi1> to vector<1x1024xi32>
    %convert_element_type3A_91 = arith.sitofp %convert_element_type3A_90 : vector<1x1024xi32> to vector<1x1024xf32>
    %slice3A_92 = vector.extract_strided_slice %dot_general3A_30 {offsets = [160, 0], sizes = [40, 1024], strides = [1, 1]} : vector<768x1024xf32> to vector<40x1024xf32>
    %mul3A_93 = vector.broadcast %convert_element_type3A_91 : vector<1x1024xf32> to vector<40x1024xf32>
    %mul3A_94 = arith.mulf %mul3A_93, %slice3A_92 : vector<40x1024xf32>
    %add3A_95 = arith.addf %add3A_86, %mul3A_94 : vector<40x1024xf32>
    %eq3A_96 = arith.constant 5 : i32
    %eq3A_97 = vector.broadcast %eq3A_96 : i32 to vector<1x1024xi32>
    %eq3A_98 = arith.cmpi eq, %select_n3A, %eq3A_97 : vector<1x1024xi32>
    %convert_element_type3A_99 = arith.extui %eq3A_98 : vector<1x1024xi1> to vector<1x1024xi32>
    %convert_element_type3A_100 = arith.sitofp %convert_element_type3A_99 : vector<1x1024xi32> to vector<1x1024xf32>
    %slice3A_101 = vector.extract_strided_slice %dot_general3A_30 {offsets = [200, 0], sizes = [40, 1024], strides = [1, 1]} : vector<768x1024xf32> to vector<40x1024xf32>
    %mul3A_102 = vector.broadcast %convert_element_type3A_100 : vector<1x1024xf32> to vector<40x1024xf32>
    %mul3A_103 = arith.mulf %mul3A_102, %slice3A_101 : vector<40x1024xf32>
    %add3A_104 = arith.addf %add3A_95, %mul3A_103 : vector<40x1024xf32>
    %eq3A_105 = arith.constant 6 : i32
    %eq3A_106 = vector.broadcast %eq3A_105 : i32 to vector<1x1024xi32>
    %eq3A_107 = arith.cmpi eq, %select_n3A, %eq3A_106 : vector<1x1024xi32>
    %convert_element_type3A_108 = arith.extui %eq3A_107 : vector<1x1024xi1> to vector<1x1024xi32>
    %convert_element_type3A_109 = arith.sitofp %convert_element_type3A_108 : vector<1x1024xi32> to vector<1x1024xf32>
    %slice3A_110 = vector.extract_strided_slice %dot_general3A_30 {offsets = [240, 0], sizes = [40, 1024], strides = [1, 1]} : vector<768x1024xf32> to vector<40x1024xf32>
    %mul3A_111 = vector.broadcast %convert_element_type3A_109 : vector<1x1024xf32> to vector<40x1024xf32>
    %mul3A_112 = arith.mulf %mul3A_111, %slice3A_110 : vector<40x1024xf32>
    %add3A_113 = arith.addf %add3A_104, %mul3A_112 : vector<40x1024xf32>
    %eq3A_114 = arith.constant 7 : i32
    %eq3A_115 = vector.broadcast %eq3A_114 : i32 to vector<1x1024xi32>
    %eq3A_116 = arith.cmpi eq, %select_n3A, %eq3A_115 : vector<1x1024xi32>
    %convert_element_type3A_117 = arith.extui %eq3A_116 : vector<1x1024xi1> to vector<1x1024xi32>
    %convert_element_type3A_118 = arith.sitofp %convert_element_type3A_117 : vector<1x1024xi32> to vector<1x1024xf32>
    %slice3A_119 = vector.extract_strided_slice %dot_general3A_30 {offsets = [280, 0], sizes = [40, 1024], strides = [1, 1]} : vector<768x1024xf32> to vector<40x1024xf32>
    %mul3A_120 = vector.broadcast %convert_element_type3A_118 : vector<1x1024xf32> to vector<40x1024xf32>
    %mul3A_121 = arith.mulf %mul3A_120, %slice3A_119 : vector<40x1024xf32>
    %add3A_122 = arith.addf %add3A_113, %mul3A_121 : vector<40x1024xf32>
    %eq3A_123 = arith.constant 8 : i32
    %eq3A_124 = vector.broadcast %eq3A_123 : i32 to vector<1x1024xi32>
    %eq3A_125 = arith.cmpi eq, %select_n3A, %eq3A_124 : vector<1x1024xi32>
    %convert_element_type3A_126 = arith.extui %eq3A_125 : vector<1x1024xi1> to vector<1x1024xi32>
    %convert_element_type3A_127 = arith.sitofp %convert_element_type3A_126 : vector<1x1024xi32> to vector<1x1024xf32>
    %slice3A_128 = vector.extract_strided_slice %dot_general3A_30 {offsets = [320, 0], sizes = [40, 1024], strides = [1, 1]} : vector<768x1024xf32> to vector<40x1024xf32>
    %mul3A_129 = vector.broadcast %convert_element_type3A_127 : vector<1x1024xf32> to vector<40x1024xf32>
    %mul3A_130 = arith.mulf %mul3A_129, %slice3A_128 : vector<40x1024xf32>
    %add3A_131 = arith.addf %add3A_122, %mul3A_130 : vector<40x1024xf32>
    %eq3A_132 = arith.constant 9 : i32
    %eq3A_133 = vector.broadcast %eq3A_132 : i32 to vector<1x1024xi32>
    %eq3A_134 = arith.cmpi eq, %select_n3A, %eq3A_133 : vector<1x1024xi32>
    %convert_element_type3A_135 = arith.extui %eq3A_134 : vector<1x1024xi1> to vector<1x1024xi32>
    %convert_element_type3A_136 = arith.sitofp %convert_element_type3A_135 : vector<1x1024xi32> to vector<1x1024xf32>
    %slice3A_137 = vector.extract_strided_slice %dot_general3A_30 {offsets = [360, 0], sizes = [40, 1024], strides = [1, 1]} : vector<768x1024xf32> to vector<40x1024xf32>
    %mul3A_138 = vector.broadcast %convert_element_type3A_136 : vector<1x1024xf32> to vector<40x1024xf32>
    %mul3A_139 = arith.mulf %mul3A_138, %slice3A_137 : vector<40x1024xf32>
    %add3A_140 = arith.addf %add3A_131, %mul3A_139 : vector<40x1024xf32>
    %eq3A_141 = arith.constant 10 : i32
    %eq3A_142 = vector.broadcast %eq3A_141 : i32 to vector<1x1024xi32>
    %eq3A_143 = arith.cmpi eq, %select_n3A, %eq3A_142 : vector<1x1024xi32>
    %convert_element_type3A_144 = arith.extui %eq3A_143 : vector<1x1024xi1> to vector<1x1024xi32>
    %convert_element_type3A_145 = arith.sitofp %convert_element_type3A_144 : vector<1x1024xi32> to vector<1x1024xf32>
    %slice3A_146 = vector.extract_strided_slice %dot_general3A_30 {offsets = [400, 0], sizes = [40, 1024], strides = [1, 1]} : vector<768x1024xf32> to vector<40x1024xf32>
    %mul3A_147 = vector.broadcast %convert_element_type3A_145 : vector<1x1024xf32> to vector<40x1024xf32>
    %mul3A_148 = arith.mulf %mul3A_147, %slice3A_146 : vector<40x1024xf32>
    %add3A_149 = arith.addf %add3A_140, %mul3A_148 : vector<40x1024xf32>
    %eq3A_150 = arith.constant 11 : i32
    %eq3A_151 = vector.broadcast %eq3A_150 : i32 to vector<1x1024xi32>
    %eq3A_152 = arith.cmpi eq, %select_n3A, %eq3A_151 : vector<1x1024xi32>
    %convert_element_type3A_153 = arith.extui %eq3A_152 : vector<1x1024xi1> to vector<1x1024xi32>
    %convert_element_type3A_154 = arith.sitofp %convert_element_type3A_153 : vector<1x1024xi32> to vector<1x1024xf32>
    %slice3A_155 = vector.extract_strided_slice %dot_general3A_30 {offsets = [440, 0], sizes = [40, 1024], strides = [1, 1]} : vector<768x1024xf32> to vector<40x1024xf32>
    %mul3A_156 = vector.broadcast %convert_element_type3A_154 : vector<1x1024xf32> to vector<40x1024xf32>
    %mul3A_157 = arith.mulf %mul3A_156, %slice3A_155 : vector<40x1024xf32>
    %add3A_158 = arith.addf %add3A_149, %mul3A_157 : vector<40x1024xf32>
    %eq3A_159 = arith.constant 12 : i32
    %eq3A_160 = vector.broadcast %eq3A_159 : i32 to vector<1x1024xi32>
    %eq3A_161 = arith.cmpi eq, %select_n3A, %eq3A_160 : vector<1x1024xi32>
    %convert_element_type3A_162 = arith.extui %eq3A_161 : vector<1x1024xi1> to vector<1x1024xi32>
    %convert_element_type3A_163 = arith.sitofp %convert_element_type3A_162 : vector<1x1024xi32> to vector<1x1024xf32>
    %slice3A_164 = vector.extract_strided_slice %dot_general3A_30 {offsets = [480, 0], sizes = [40, 1024], strides = [1, 1]} : vector<768x1024xf32> to vector<40x1024xf32>
    %mul3A_165 = vector.broadcast %convert_element_type3A_163 : vector<1x1024xf32> to vector<40x1024xf32>
    %mul3A_166 = arith.mulf %mul3A_165, %slice3A_164 : vector<40x1024xf32>
    %add3A_167 = arith.addf %add3A_158, %mul3A_166 : vector<40x1024xf32>
    %eq3A_168 = arith.constant 13 : i32
    %eq3A_169 = vector.broadcast %eq3A_168 : i32 to vector<1x1024xi32>
    %eq3A_170 = arith.cmpi eq, %select_n3A, %eq3A_169 : vector<1x1024xi32>
    %convert_element_type3A_171 = arith.extui %eq3A_170 : vector<1x1024xi1> to vector<1x1024xi32>
    %convert_element_type3A_172 = arith.sitofp %convert_element_type3A_171 : vector<1x1024xi32> to vector<1x1024xf32>
    %slice3A_173 = vector.extract_strided_slice %dot_general3A_30 {offsets = [520, 0], sizes = [40, 1024], strides = [1, 1]} : vector<768x1024xf32> to vector<40x1024xf32>
    %mul3A_174 = vector.broadcast %convert_element_type3A_172 : vector<1x1024xf32> to vector<40x1024xf32>
    %mul3A_175 = arith.mulf %mul3A_174, %slice3A_173 : vector<40x1024xf32>
    %add3A_176 = arith.addf %add3A_167, %mul3A_175 : vector<40x1024xf32>
    %eq3A_177 = arith.constant 14 : i32
    %eq3A_178 = vector.broadcast %eq3A_177 : i32 to vector<1x1024xi32>
    %eq3A_179 = arith.cmpi eq, %select_n3A, %eq3A_178 : vector<1x1024xi32>
    %convert_element_type3A_180 = arith.extui %eq3A_179 : vector<1x1024xi1> to vector<1x1024xi32>
    %convert_element_type3A_181 = arith.sitofp %convert_element_type3A_180 : vector<1x1024xi32> to vector<1x1024xf32>
    %slice3A_182 = vector.extract_strided_slice %dot_general3A_30 {offsets = [560, 0], sizes = [40, 1024], strides = [1, 1]} : vector<768x1024xf32> to vector<40x1024xf32>
    %mul3A_183 = vector.broadcast %convert_element_type3A_181 : vector<1x1024xf32> to vector<40x1024xf32>
    %mul3A_184 = arith.mulf %mul3A_183, %slice3A_182 : vector<40x1024xf32>
    %add3A_185 = arith.addf %add3A_176, %mul3A_184 : vector<40x1024xf32>
    %eq3A_186 = arith.constant 15 : i32
    %eq3A_187 = vector.broadcast %eq3A_186 : i32 to vector<1x1024xi32>
    %eq3A_188 = arith.cmpi eq, %select_n3A, %eq3A_187 : vector<1x1024xi32>
    %convert_element_type3A_189 = arith.extui %eq3A_188 : vector<1x1024xi1> to vector<1x1024xi32>
    %convert_element_type3A_190 = arith.sitofp %convert_element_type3A_189 : vector<1x1024xi32> to vector<1x1024xf32>
    %slice3A_191 = vector.extract_strided_slice %dot_general3A_30 {offsets = [600, 0], sizes = [40, 1024], strides = [1, 1]} : vector<768x1024xf32> to vector<40x1024xf32>
    %mul3A_192 = vector.broadcast %convert_element_type3A_190 : vector<1x1024xf32> to vector<40x1024xf32>
    %mul3A_193 = arith.mulf %mul3A_192, %slice3A_191 : vector<40x1024xf32>
    %add3A_194 = arith.addf %add3A_185, %mul3A_193 : vector<40x1024xf32>
    %eq3A_195 = arith.constant 16 : i32
    %eq3A_196 = vector.broadcast %eq3A_195 : i32 to vector<1x1024xi32>
    %eq3A_197 = arith.cmpi eq, %select_n3A, %eq3A_196 : vector<1x1024xi32>
    %convert_element_type3A_198 = arith.extui %eq3A_197 : vector<1x1024xi1> to vector<1x1024xi32>
    %convert_element_type3A_199 = arith.sitofp %convert_element_type3A_198 : vector<1x1024xi32> to vector<1x1024xf32>
    %slice3A_200 = vector.extract_strided_slice %dot_general3A_30 {offsets = [640, 0], sizes = [40, 1024], strides = [1, 1]} : vector<768x1024xf32> to vector<40x1024xf32>
    %mul3A_201 = vector.broadcast %convert_element_type3A_199 : vector<1x1024xf32> to vector<40x1024xf32>
    %mul3A_202 = arith.mulf %mul3A_201, %slice3A_200 : vector<40x1024xf32>
    %add3A_203 = arith.addf %add3A_194, %mul3A_202 : vector<40x1024xf32>
    %eq3A_204 = arith.constant 17 : i32
    %eq3A_205 = vector.broadcast %eq3A_204 : i32 to vector<1x1024xi32>
    %eq3A_206 = arith.cmpi eq, %select_n3A, %eq3A_205 : vector<1x1024xi32>
    %convert_element_type3A_207 = arith.extui %eq3A_206 : vector<1x1024xi1> to vector<1x1024xi32>
    %convert_element_type3A_208 = arith.sitofp %convert_element_type3A_207 : vector<1x1024xi32> to vector<1x1024xf32>
    %slice3A_209 = vector.extract_strided_slice %dot_general3A_30 {offsets = [680, 0], sizes = [40, 1024], strides = [1, 1]} : vector<768x1024xf32> to vector<40x1024xf32>
    %mul3A_210 = vector.broadcast %convert_element_type3A_208 : vector<1x1024xf32> to vector<40x1024xf32>
    %mul3A_211 = arith.mulf %mul3A_210, %slice3A_209 : vector<40x1024xf32>
    %add3A_212 = arith.addf %add3A_203, %mul3A_211 : vector<40x1024xf32>
    %eq3A_213 = arith.constant 18 : i32
    %eq3A_214 = vector.broadcast %eq3A_213 : i32 to vector<1x1024xi32>
    %eq3A_215 = arith.cmpi eq, %select_n3A, %eq3A_214 : vector<1x1024xi32>
    %convert_element_type3A_216 = arith.extui %eq3A_215 : vector<1x1024xi1> to vector<1x1024xi32>
    %convert_element_type3A_217 = arith.sitofp %convert_element_type3A_216 : vector<1x1024xi32> to vector<1x1024xf32>
    %slice3A_218 = vector.extract_strided_slice %dot_general3A_30 {offsets = [720, 0], sizes = [40, 1024], strides = [1, 1]} : vector<768x1024xf32> to vector<40x1024xf32>
    %mul3A_219 = vector.broadcast %convert_element_type3A_217 : vector<1x1024xf32> to vector<40x1024xf32>
    %mul3A_220 = arith.mulf %mul3A_219, %slice3A_218 : vector<40x1024xf32>
    %add3A_221 = arith.addf %add3A_212, %mul3A_220 : vector<40x1024xf32>
    %reduce_max3A_222 = arith.constant dense<0xFF800000> : vector<1024xf32>
    %reduce_max3A_223 = vector.multi_reduction <maximumf>, %add3A_221, %reduce_max3A_222 [0] : vector<40x1024xf32> to vector<1024xf32>
    %broadcast_in_dim3A_224 = vector.shape_cast %reduce_max3A_223 : vector<1024xf32> to vector<1x1024xf32>
    %sub3A_225 = vector.broadcast %broadcast_in_dim3A_224 : vector<1x1024xf32> to vector<40x1024xf32>
    %sub3A_226 = arith.subf %add3A_221, %sub3A_225 : vector<40x1024xf32>
    %exp3A_227 = math.exp %sub3A_226 : vector<40x1024xf32>
    %reduce_sum3A_228 = arith.constant dense<0.000000e+00> : vector<1024xf32>
    %reduce_sum3A_229 = vector.multi_reduction <add>, %exp3A_227, %reduce_sum3A_228 [0] : vector<40x1024xf32> to vector<1024xf32>
    %broadcast_in_dim3A_230 = vector.shape_cast %reduce_sum3A_229 : vector<1024xf32> to vector<1x1024xf32>
    %div3A_231 = vector.broadcast %broadcast_in_dim3A_230 : vector<1x1024xf32> to vector<40x1024xf32>
    %div3A_232 = arith.divf %exp3A_227, %div3A_231 : vector<40x1024xf32>
    %add3A_233 = arith.constant 9.99999996E-13 : f32
    %add3A_234 = vector.broadcast %add3A_233 : f32 to vector<40x1024xf32>
    %add3A_235 = arith.addf %div3A_232, %add3A_234 : vector<40x1024xf32>
    %log3A_236 = math.log %add3A_235 : vector<40x1024xf32>
    %mul3A_237 = arith.constant 2.500000e+01 : f32
    %mul3A_238 = vector.broadcast %mul3A_237 : f32 to vector<40x1024xf32>
    %mul3A_239 = arith.mulf %mul3A_238, %log3A_236 : vector<40x1024xf32>
    %reduce_max3A_240 = arith.constant dense<0xFF800000> : vector<1024xf32>
    %reduce_max3A_241 = vector.multi_reduction <maximumf>, %mul3A_239, %reduce_max3A_240 [0] : vector<40x1024xf32> to vector<1024xf32>
    %broadcast_in_dim3A_242 = vector.shape_cast %reduce_max3A_241 : vector<1024xf32> to vector<1x1024xf32>
    %sub3A_243 = vector.broadcast %broadcast_in_dim3A_242 : vector<1x1024xf32> to vector<40x1024xf32>
    %sub3A_244 = arith.subf %mul3A_239, %sub3A_243 : vector<40x1024xf32>
    %exp3A_245 = math.exp %sub3A_244 : vector<40x1024xf32>
    %swap3A_246 = arith.constant 0 : index
    %swap3A_247 = arith.constant 0 : index
    %swap3A_248 = vector.load %arg5[%swap3A_246, %swap3A_247] : memref<40x1024xf32, #tpu.memory_space<vmem>>, vector<40x1024xf32>
    tpu.vector_store %arg5[%swap3A_246, %swap3A_247], %exp3A_245 {strides = array<i32>} : memref<40x1024xf32, #tpu.memory_space<vmem>>, vector<40x1024xf32>,
    %mul3A_249 = arith.constant 1.000000e+01 : f32
    %mul3A_250 = vector.broadcast %mul3A_249 : f32 to vector<40x1024xf32>
    %mul3A_251 = arith.mulf %add3A_221, %mul3A_250 : vector<40x1024xf32>
    %sub3A_252 = vector.broadcast %add3A : vector<1x1024xf32> to vector<40x1024xf32>
    %sub3A_253 = arith.subf %mul3A_251, %sub3A_252 : vector<40x1024xf32>
    %swap3A_254 = arith.constant 0 : index
    %swap3A_255 = arith.constant 0 : index
    %swap3A_256 = vector.load %arg6[%swap3A_254, %swap3A_255] : memref<40x1024xf32, #tpu.memory_space<vmem>>, vector<40x1024xf32>
    tpu.vector_store %arg6[%swap3A_254, %swap3A_255], %sub3A_253 {strides = array<i32>} : memref<40x1024xf32, #tpu.memory_space<vmem>>, vector<40x1024xf32>,
    return
  }
  func.func @transform_0(%arg0: i32) -> (i32, i32) {
    %c0_i32 = arith.constant 0 : i32
    %c0_i32_0 = arith.constant 0 : i32
    %c0_i32_1 = arith.constant 0 : i32
    return %c0_i32, %c0_i32_0 : i32, i32
  }
  func.func @transform_1(%arg0: i32) -> (i32, i32) {
    %c0_i32 = arith.constant 0 : i32
    %c0_i32_0 = arith.constant 0 : i32
    return %arg0, %c0_i32 : i32, i32
  }
  func.func @transform_2(%arg0: i32) -> (i32, i32) {
    %c0_i32 = arith.constant 0 : i32
    %c0_i32_0 = arith.constant 0 : i32
    return %c0_i32, %arg0 : i32, i32
  }
  func.func @transform_3(%arg0: i32) -> (i32, i32) {
    %c0_i32 = arith.constant 0 : i32
    %c0_i32_0 = arith.constant 0 : i32
    return %c0_i32, %arg0 : i32, i32
  }
  func.func @transform_4(%arg0: i32) -> (i32, i32) {
    %c0_i32 = arith.constant 0 : i32
    %c0_i32_0 = arith.constant 0 : i32
    return %c0_i32, %arg0 : i32, i32
  }
  func.func @transform_5(%arg0: i32) -> (i32, i32) {
    %c0_i32 = arith.constant 0 : i32
    %c0_i32_0 = arith.constant 0 : i32
    return %c0_i32, %arg0 : i32, i32
  }
  func.func @transform_6(%arg0: i32) -> (i32, i32) {
    %c0_i32 = arith.constant 0 : i32
    %c0_i32_0 = arith.constant 0 : i32
    return %c0_i32, %arg0 : i32, i32
  }
  func.func @transform_7(%arg0: i32) -> (i32, i32) {
    %c0_i32 = arith.constant 0 : i32
    %c0_i32_0 = arith.constant 0 : i32
    return %c0_i32, %arg0 : i32, i32
  }
  func.func @transform_8(%arg0: i32) -> (i32, i32) {
    %c0_i32 = arith.constant 0 : i32
    %c0_i32_0 = arith.constant 0 : i32
    return %arg0, %c0_i32 : i32, i32
  }
}

module attributes {stable_mosaic.version = 14 : i64} {
  func.func @_k2_body(%arg0: i32, %arg1: memref<40x65536xf32, #tpu.memory_space<vmem>>, %arg2: memref<40x65536xf32, #tpu.memory_space<vmem>>, %arg3: memref<1x65536xi32, #tpu.memory_space<vmem>>, %arg4: memref<1x65536xf32, #tpu.memory_space<vmem>>, %arg5: memref<1x65536xi32, #tpu.memory_space<vmem>>, %arg6: memref<19x40xf32, #tpu.memory_space<vmem>>, %arg7: memref<1x1xf32, #tpu.memory_space<vmem>>) attributes {dimension_semantics = [#tpu.dimension_semantics<arbitrary>], iteration_bounds = array<i64: 1>, scalar_prefetch = 0 : i64, scratch_operands = 0 : i64, tpu.core_type = #tpu.core_type<tc>, window_params = [{pipeline_mode = #tpu.pipeline_mode<synchronous>, transform_indices = @transform_0, window_bounds = array<i64: 40, 65536>}, {pipeline_mode = #tpu.pipeline_mode<synchronous>, transform_indices = @transform_1, window_bounds = array<i64: 40, 65536>}, {pipeline_mode = #tpu.pipeline_mode<synchronous>, transform_indices = @transform_2, window_bounds = array<i64: 1, 65536>}, {pipeline_mode = #tpu.pipeline_mode<synchronous>, transform_indices = @transform_3, window_bounds = array<i64: 1, 65536>}, {pipeline_mode = #tpu.pipeline_mode<synchronous>, transform_indices = @transform_4, window_bounds = array<i64: 1, 65536>}, {pipeline_mode = #tpu.pipeline_mode<synchronous>, transform_indices = @transform_5, window_bounds = array<i64: 19, 40>}, {pipeline_mode = #tpu.pipeline_mode<synchronous>, transform_indices = @transform_6, window_bounds = array<i64: 1, 1>}]} {
    %get3A = arith.constant 0 : index
    %get3A_0 = arith.constant 0 : index
    %get3A_1 = vector.load %arg1[%get3A, %get3A_0] : memref<40x65536xf32, #tpu.memory_space<vmem>>, vector<40x65536xf32>
    %get3A_2 = arith.constant 0 : index
    %get3A_3 = arith.constant 0 : index
    %get3A_4 = vector.load %arg3[%get3A_2, %get3A_3] : memref<1x65536xi32, #tpu.memory_space<vmem>>, vector<1x65536xi32>
    %get3A_5 = arith.constant 0 : index
    %get3A_6 = arith.constant 0 : index
    %get3A_7 = vector.load %arg4[%get3A_5, %get3A_6] : memref<1x65536xf32, #tpu.memory_space<vmem>>, vector<1x65536xf32>
    %iota3A = tpu.iota {dimensions = array<i32: 0>} : vector<19x65536xi32>
    %eq3A = vector.broadcast %get3A_4 : vector<1x65536xi32> to vector<19x65536xi32>
    %eq3A_8 = arith.cmpi eq, %iota3A, %eq3A : vector<19x65536xi32>
    %convert_element_type3A = arith.extui %eq3A_8 : vector<19x65536xi1> to vector<19x65536xi32>
    %convert_element_type3A_9 = arith.sitofp %convert_element_type3A : vector<19x65536xi32> to vector<19x65536xf32>
    %reduce_sum3A = arith.constant dense<0.000000e+00> : vector<19xf32>
    %reduce_sum3A_10 = vector.multi_reduction <add>, %convert_element_type3A_9, %reduce_sum3A [1] : vector<19x65536xf32> to vector<19xf32>
    %broadcast_in_dim3A = vector.shape_cast %reduce_sum3A_10 : vector<19xf32> to vector<19x1xf32>
    %max3A = arith.constant 1.000000e+00 : f32
    %max3A_11 = vector.broadcast %max3A : f32 to vector<19x1xf32>
    %max3A_12 = arith.maximumf %broadcast_in_dim3A, %max3A_11 : vector<19x1xf32>
    %div3A = arith.constant 1.000000e+00 : f32
    %div3A_13 = vector.broadcast %div3A : f32 to vector<19x1xf32>
    %div3A_14 = arith.divf %div3A_13, %max3A_12 : vector<19x1xf32>
    %mul3A = vector.broadcast %div3A_14 : vector<19x1xf32> to vector<19x65536xf32>
    %mul3A_15 = arith.mulf %convert_element_type3A_9, %mul3A : vector<19x65536xf32>
    %reduce_sum3A_16 = arith.constant dense<0.000000e+00> : vector<65536xf32>
    %reduce_sum3A_17 = vector.multi_reduction <add>, %mul3A_15, %reduce_sum3A_16 [0] : vector<19x65536xf32> to vector<65536xf32>
    %broadcast_in_dim3A_18 = vector.shape_cast %reduce_sum3A_17 : vector<65536xf32> to vector<1x65536xf32>
    %broadcast_in_dim3A_19 = arith.constant 2.500000e-02 : f32
    %broadcast_in_dim3A_20 = vector.broadcast %broadcast_in_dim3A_19 : f32 to vector<40x19xf32>
    %scan3A = arith.constant 2.500000e-02 : f32
    %scan3A_21 = arith.constant 0 : i32
    %scan3A_22 = arith.constant 25 : i32
    %scan3A_23 = arith.addi %scan3A_21, %scan3A_22 : i32
    %scan3A_24 = arith.constant 1 : i32
    %scan3A_25:2 = scf.for %scan3A_76 = %scan3A_21 to %scan3A_23 step %scan3A_24 iter_args(%scan3A_77 = %broadcast_in_dim3A_18, %scan3A_78 = %broadcast_in_dim3A_20) -> (vector<1x65536xf32>, vector<40x19xf32>)  : i32 {
      %mul3A_79 = vector.broadcast %scan3A_77 : vector<1x65536xf32> to vector<19x65536xf32>
      %mul3A_80 = arith.mulf %convert_element_type3A_9, %mul3A_79 : vector<19x65536xf32>
      %dot_general3A_81 = arith.constant dense<0.000000e+00> : vector<40x19xf32>
      %dot_general3A_82 = tpu.matmul %get3A_1, %mul3A_80, %dot_general3A_81 {dimension_numbers = #tpu.dot_dimension_numbers<[1], [1], [0], [0], [0, 0, 1, 0], [], []>, transpose_lhs_hint = false} : vector<40x65536xf32>, vector<19x65536xf32>, vector<40x19xf32> -> vector<40x19xf32>
      %max3A_83 = arith.constant 1.000000e-30 : f32
      %max3A_84 = vector.broadcast %max3A_83 : f32 to vector<40x19xf32>
      %max3A_85 = arith.maximumf %dot_general3A_82, %max3A_84 : vector<40x19xf32>
      %div3A_86 = vector.broadcast %scan3A : f32 to vector<40x19xf32>
      %div3A_87 = arith.divf %div3A_86, %max3A_85 : vector<40x19xf32>
      %dot_general3A_88 = arith.constant dense<0.000000e+00> : vector<40x65536xf32>
      %dot_general3A_89 = tpu.matmul %div3A_87, %convert_element_type3A_9, %dot_general3A_88 {dimension_numbers = #tpu.dot_dimension_numbers<[1], [0], [0], [1], [0, 0, 1, 1], [], []>, transpose_lhs_hint = false} : vector<40x19xf32>, vector<19x65536xf32>, vector<40x65536xf32> -> vector<40x65536xf32>
      %mul3A_90 = arith.mulf %get3A_1, %dot_general3A_89 : vector<40x65536xf32>
      %reduce_sum3A_91 = arith.constant dense<0.000000e+00> : vector<65536xf32>
      %reduce_sum3A_92 = vector.multi_reduction <add>, %mul3A_90, %reduce_sum3A_91 [0] : vector<40x65536xf32> to vector<65536xf32>
      %broadcast_in_dim3A_93 = vector.shape_cast %reduce_sum3A_92 : vector<65536xf32> to vector<1x65536xf32>
      %max3A_94 = arith.constant 1.000000e-30 : f32
      %max3A_95 = vector.broadcast %max3A_94 : f32 to vector<1x65536xf32>
      %max3A_96 = arith.maximumf %broadcast_in_dim3A_93, %max3A_95 : vector<1x65536xf32>
      %div3A_97 = arith.divf %broadcast_in_dim3A_18, %max3A_96 : vector<1x65536xf32>
      scf.yield %div3A_97, %div3A_87 : vector<1x65536xf32>, vector<40x19xf32>
    }
    %dot_general3A = arith.constant dense<0.000000e+00> : vector<40x65536xf32>
    %dot_general3A_26 = tpu.matmul %scan3A_25#1, %convert_element_type3A_9, %dot_general3A {dimension_numbers = #tpu.dot_dimension_numbers<[1], [0], [0], [1], [0, 0, 1, 1], [], []>, transpose_lhs_hint = false} : vector<40x19xf32>, vector<19x65536xf32>, vector<40x65536xf32> -> vector<40x65536xf32>
    %mul3A_27 = vector.broadcast %scan3A_25#0 : vector<1x65536xf32> to vector<40x65536xf32>
    %mul3A_28 = arith.mulf %get3A_1, %mul3A_27 : vector<40x65536xf32>
    %mul3A_29 = arith.mulf %mul3A_28, %dot_general3A_26 : vector<40x65536xf32>
    %reduce_max3A = arith.constant dense<0xFF800000> : vector<65536xf32>
    %reduce_max3A_30 = vector.multi_reduction <maximumf>, %mul3A_29, %reduce_max3A [0] : vector<40x65536xf32> to vector<65536xf32>
    %broadcast_in_dim3A_31 = vector.shape_cast %reduce_max3A_30 : vector<65536xf32> to vector<1x65536xf32>
    %iota3A_32 = tpu.iota {dimensions = array<i32: 0>} : vector<40x65536xi32>
    %eq3A_33 = vector.broadcast %broadcast_in_dim3A_31 : vector<1x65536xf32> to vector<40x65536xf32>
    %eq3A_34 = arith.cmpf oeq, %mul3A_29, %eq3A_33 : vector<40x65536xf32>
    %jit3A = arith.constant 40 : i32
    %broadcast_in_dim3A_35 = vector.broadcast %jit3A : i32 to vector<40x65536xi32>
    %select_n3A = arith.select %eq3A_34, %iota3A_32, %broadcast_in_dim3A_35 : vector<40x65536xi1>, vector<40x65536xi32>
    %reduce_min3A = arith.constant dense<2147483647> : vector<65536xi32>
    %reduce_min3A_36 = vector.multi_reduction <minsi>, %select_n3A, %reduce_min3A [0] : vector<40x65536xi32> to vector<65536xi32>
    %broadcast_in_dim3A_37 = vector.shape_cast %reduce_min3A_36 : vector<65536xi32> to vector<1x65536xi32>
    %mul3A_38 = arith.constant 40 : i32
    %mul3A_39 = vector.broadcast %mul3A_38 : i32 to vector<1x65536xi32>
    %mul3A_40 = arith.muli %get3A_4, %mul3A_39 : vector<1x65536xi32>
    %add3A = arith.addi %mul3A_40, %broadcast_in_dim3A_37 : vector<1x65536xi32>
    %swap3A = arith.constant 0 : index
    %swap3A_41 = arith.constant 0 : index
    %swap3A_42 = vector.load %arg5[%swap3A, %swap3A_41] : memref<1x65536xi32, #tpu.memory_space<vmem>>, vector<1x65536xi32>
    tpu.vector_store %arg5[%swap3A, %swap3A_41], %add3A {strides = array<i32>} : memref<1x65536xi32, #tpu.memory_space<vmem>>, vector<1x65536xi32>,
    %eq3A_43 = vector.broadcast %broadcast_in_dim3A_37 : vector<1x65536xi32> to vector<40x65536xi32>
    %eq3A_44 = arith.cmpi eq, %iota3A_32, %eq3A_43 : vector<40x65536xi32>
    %convert_element_type3A_45 = arith.extui %eq3A_44 : vector<40x65536xi1> to vector<40x65536xi32>
    %convert_element_type3A_46 = arith.sitofp %convert_element_type3A_45 : vector<40x65536xi32> to vector<40x65536xf32>
    %dot_general3A_47 = arith.constant dense<0.000000e+00> : vector<19x40xf32>
    %dot_general3A_48 = tpu.matmul %convert_element_type3A_9, %convert_element_type3A_46, %dot_general3A_47 {dimension_numbers = #tpu.dot_dimension_numbers<[1], [1], [0], [0], [0, 0, 1, 0], [], []>, transpose_lhs_hint = false} : vector<19x65536xf32>, vector<40x65536xf32>, vector<19x40xf32> -> vector<19x40xf32>
    %swap3A_49 = arith.constant 0 : index
    %swap3A_50 = arith.constant 0 : index
    %swap3A_51 = vector.load %arg6[%swap3A_49, %swap3A_50] : memref<19x40xf32, #tpu.memory_space<vmem>>, vector<19x40xf32>
    tpu.vector_store %arg6[%swap3A_49, %swap3A_50], %dot_general3A_48 {strides = array<i32>} : memref<19x40xf32, #tpu.memory_space<vmem>>, vector<19x40xf32>,
    %get3A_52 = arith.constant 0 : index
    %get3A_53 = arith.constant 0 : index
    %get3A_54 = vector.load %arg2[%get3A_52, %get3A_53] : memref<40x65536xf32, #tpu.memory_space<vmem>>, vector<40x65536xf32>
    %mul3A_55 = arith.mulf %convert_element_type3A_46, %get3A_54 : vector<40x65536xf32>
    %reduce_sum3A_56 = arith.constant dense<0.000000e+00> : vector<65536xf32>
    %reduce_sum3A_57 = vector.multi_reduction <add>, %mul3A_55, %reduce_sum3A_56 [0] : vector<40x65536xf32> to vector<65536xf32>
    %broadcast_in_dim3A_58 = vector.shape_cast %reduce_sum3A_57 : vector<65536xf32> to vector<1x65536xf32>
    %mul3A_59 = arith.mulf %broadcast_in_dim3A_58, %get3A_7 : vector<1x65536xf32>
    %reduce_sum3A_60 = arith.constant dense<0.000000e+00> : vector<1xf32>
    %reduce_sum3A_61 = vector.multi_reduction <add>, %mul3A_59, %reduce_sum3A_60 [1] : vector<1x65536xf32> to vector<1xf32>
    %broadcast_in_dim3A_62 = vector.shape_cast %reduce_sum3A_61 : vector<1xf32> to vector<1x1xf32>
    %reduce_sum3A_63 = arith.constant dense<0.000000e+00> : vector<1xf32>
    %reduce_sum3A_64 = vector.multi_reduction <add>, %get3A_7, %reduce_sum3A_63 [1] : vector<1x65536xf32> to vector<1xf32>
    %broadcast_in_dim3A_65 = vector.shape_cast %reduce_sum3A_64 : vector<1xf32> to vector<1x1xf32>
    %mul3A_66 = arith.constant -5.000000e-02 : f32
    %mul3A_67 = vector.broadcast %mul3A_66 : f32 to vector<1x1xf32>
    %mul3A_68 = arith.mulf %mul3A_67, %broadcast_in_dim3A_62 : vector<1x1xf32>
    %max3A_69 = arith.constant 1.000000e+00 : f32
    %max3A_70 = vector.broadcast %max3A_69 : f32 to vector<1x1xf32>
    %max3A_71 = arith.maximumf %broadcast_in_dim3A_65, %max3A_70 : vector<1x1xf32>
    %div3A_72 = arith.divf %mul3A_68, %max3A_71 : vector<1x1xf32>
    %swap3A_73 = arith.constant 0 : index
    %swap3A_74 = arith.constant 0 : index
    %swap3A_75 = vector.load %arg7[%swap3A_73, %swap3A_74] : memref<1x1xf32, #tpu.memory_space<vmem>>, vector<1x1xf32>
    tpu.vector_store %arg7[%swap3A_73, %swap3A_74], %div3A_72 {strides = array<i32>} : memref<1x1xf32, #tpu.memory_space<vmem>>, vector<1x1xf32>,
    return
  }
  func.func @transform_0(%arg0: i32) -> (i32, i32) {
    %c0_i32 = arith.constant 0 : i32
    %c0_i32_0 = arith.constant 0 : i32
    %c0_i32_1 = arith.constant 0 : i32
    return %c0_i32, %c0_i32_0 : i32, i32
  }
  func.func @transform_1(%arg0: i32) -> (i32, i32) {
    %c0_i32 = arith.constant 0 : i32
    %c0_i32_0 = arith.constant 0 : i32
    %c0_i32_1 = arith.constant 0 : i32
    return %c0_i32, %c0_i32_0 : i32, i32
  }
  func.func @transform_2(%arg0: i32) -> (i32, i32) {
    %c0_i32 = arith.constant 0 : i32
    %c0_i32_0 = arith.constant 0 : i32
    %c0_i32_1 = arith.constant 0 : i32
    return %c0_i32, %c0_i32_0 : i32, i32
  }
  func.func @transform_3(%arg0: i32) -> (i32, i32) {
    %c0_i32 = arith.constant 0 : i32
    %c0_i32_0 = arith.constant 0 : i32
    %c0_i32_1 = arith.constant 0 : i32
    return %c0_i32, %c0_i32_0 : i32, i32
  }
  func.func @transform_4(%arg0: i32) -> (i32, i32) {
    %c0_i32 = arith.constant 0 : i32
    %c0_i32_0 = arith.constant 0 : i32
    %c0_i32_1 = arith.constant 0 : i32
    return %c0_i32, %c0_i32_0 : i32, i32
  }
  func.func @transform_5(%arg0: i32) -> (i32, i32) {
    %c0_i32 = arith.constant 0 : i32
    %c0_i32_0 = arith.constant 0 : i32
    %c0_i32_1 = arith.constant 0 : i32
    return %c0_i32, %c0_i32_0 : i32, i32
  }
  func.func @transform_6(%arg0: i32) -> (i32, i32) {
    %c0_i32 = arith.constant 0 : i32
    %c0_i32_0 = arith.constant 0 : i32
    %c0_i32_1 = arith.constant 0 : i32
    return %c0_i32, %c0_i32_0 : i32, i32
  }
}

module attributes {stable_mosaic.version = 14 : i64} {
  func.func @_k4_body(%arg0: i32, %arg1: memref<760x64xf32, #tpu.memory_space<vmem>>, %arg2: memref<760x64xf32, #tpu.memory_space<vmem>>, %arg3: memref<760x1xf32, #tpu.memory_space<vmem>>, %arg4: memref<760x64xf32, #tpu.memory_space<vmem>>, %arg5: memref<760x64xf32, #tpu.memory_space<vmem>>) attributes {dimension_semantics = [#tpu.dimension_semantics<arbitrary>], iteration_bounds = array<i64: 1>, scalar_prefetch = 0 : i64, scratch_operands = 0 : i64, tpu.core_type = #tpu.core_type<tc>, window_params = [{pipeline_mode = #tpu.pipeline_mode<synchronous>, transform_indices = @transform_0, window_bounds = array<i64: 760, 64>}, {pipeline_mode = #tpu.pipeline_mode<synchronous>, transform_indices = @transform_1, window_bounds = array<i64: 760, 64>}, {pipeline_mode = #tpu.pipeline_mode<synchronous>, transform_indices = @transform_2, window_bounds = array<i64: 760, 1>}, {pipeline_mode = #tpu.pipeline_mode<synchronous>, transform_indices = @transform_3, window_bounds = array<i64: 760, 64>}, {pipeline_mode = #tpu.pipeline_mode<synchronous>, transform_indices = @transform_4, window_bounds = array<i64: 760, 64>}]} {
    %get3A = arith.constant 0 : index
    %get3A_0 = arith.constant 0 : index
    %get3A_1 = vector.load %arg1[%get3A, %get3A_0] : memref<760x64xf32, #tpu.memory_space<vmem>>, vector<760x64xf32>
    %get3A_2 = arith.constant 0 : index
    %get3A_3 = arith.constant 0 : index
    %get3A_4 = vector.load %arg2[%get3A_2, %get3A_3] : memref<760x64xf32, #tpu.memory_space<vmem>>, vector<760x64xf32>
    %add3A = arith.addf %get3A_1, %get3A_4 : vector<760x64xf32>
    %get3A_5 = arith.constant 0 : index
    %get3A_6 = arith.constant 0 : index
    %get3A_7 = vector.load %arg3[%get3A_5, %get3A_6] : memref<760x1xf32, #tpu.memory_space<vmem>>, vector<760x1xf32>
    %max3A = arith.constant 1.000000e+00 : f32
    %max3A_8 = vector.broadcast %max3A : f32 to vector<760x1xf32>
    %max3A_9 = arith.maximumf %get3A_7, %max3A_8 : vector<760x1xf32>
    %div3A = vector.broadcast %max3A_9 : vector<760x1xf32> to vector<760x64xf32>
    %div3A_10 = arith.divf %add3A, %div3A : vector<760x64xf32>
    %get3A_11 = arith.constant 0 : index
    %get3A_12 = arith.constant 0 : index
    %get3A_13 = vector.load %arg4[%get3A_11, %get3A_12] : memref<760x64xf32, #tpu.memory_space<vmem>>, vector<760x64xf32>
    %mul3A = arith.constant 0.999899983 : f32
    %mul3A_14 = vector.broadcast %mul3A : f32 to vector<760x64xf32>
    %mul3A_15 = arith.mulf %mul3A_14, %get3A_13 : vector<760x64xf32>
    %mul3A_16 = arith.constant 9.99999974E-5 : f32
    %mul3A_17 = vector.broadcast %mul3A_16 : f32 to vector<760x64xf32>
    %mul3A_18 = arith.mulf %mul3A_17, %div3A_10 : vector<760x64xf32>
    %add3A_19 = arith.addf %mul3A_15, %mul3A_18 : vector<760x64xf32>
    %mul3A_20 = arith.mulf %add3A_19, %add3A_19 : vector<760x64xf32>
    %reduce_sum3A = arith.constant dense<0.000000e+00> : vector<760xf32>
    %reduce_sum3A_21 = vector.multi_reduction <add>, %mul3A_20, %reduce_sum3A [1] : vector<760x64xf32> to vector<760xf32>
    %broadcast_in_dim3A = vector.shape_cast %reduce_sum3A_21 : vector<760xf32> to vector<760x1xf32>
    %sqrt3A = math.sqrt %broadcast_in_dim3A : vector<760x1xf32>
    %max3A_22 = arith.constant 9.99999996E-13 : f32
    %max3A_23 = vector.broadcast %max3A_22 : f32 to vector<760x1xf32>
    %max3A_24 = arith.maximumf %sqrt3A, %max3A_23 : vector<760x1xf32>
    %div3A_25 = vector.broadcast %max3A_24 : vector<760x1xf32> to vector<760x64xf32>
    %div3A_26 = arith.divf %add3A_19, %div3A_25 : vector<760x64xf32>
    %swap3A = arith.constant 0 : index
    %swap3A_27 = arith.constant 0 : index
    %swap3A_28 = vector.load %arg5[%swap3A, %swap3A_27] : memref<760x64xf32, #tpu.memory_space<vmem>>, vector<760x64xf32>
    tpu.vector_store %arg5[%swap3A, %swap3A_27], %div3A_26 {strides = array<i32>} : memref<760x64xf32, #tpu.memory_space<vmem>>, vector<760x64xf32>,
    return
  }
  func.func @transform_0(%arg0: i32) -> (i32, i32) {
    %c0_i32 = arith.constant 0 : i32
    %c0_i32_0 = arith.constant 0 : i32
    %c0_i32_1 = arith.constant 0 : i32
    return %c0_i32, %c0_i32_0 : i32, i32
  }
  func.func @transform_1(%arg0: i32) -> (i32, i32) {
    %c0_i32 = arith.constant 0 : i32
    %c0_i32_0 = arith.constant 0 : i32
    %c0_i32_1 = arith.constant 0 : i32
    return %c0_i32, %c0_i32_0 : i32, i32
  }
  func.func @transform_2(%arg0: i32) -> (i32, i32) {
    %c0_i32 = arith.constant 0 : i32
    %c0_i32_0 = arith.constant 0 : i32
    %c0_i32_1 = arith.constant 0 : i32
    return %c0_i32, %c0_i32_0 : i32, i32
  }
  func.func @transform_3(%arg0: i32) -> (i32, i32) {
    %c0_i32 = arith.constant 0 : i32
    %c0_i32_0 = arith.constant 0 : i32
    %c0_i32_1 = arith.constant 0 : i32
    return %c0_i32, %c0_i32_0 : i32, i32
  }
  func.func @transform_4(%arg0: i32) -> (i32, i32) {
    %c0_i32 = arith.constant 0 : i32
    %c0_i32_0 = arith.constant 0 : i32
    %c0_i32_1 = arith.constant 0 : i32
    return %c0_i32, %c0_i32_0 : i32, i32
  }
}

</mosaic_0001>

<sc_bundles>
// kernel: kernel.6.cloned.1.call-start
scs
__scs_entry_jumppad:
0x0: {  	(pc) =	sbr.rel $0x88, $3  }
0x1: {  	(tag) =	ssettag $0x0;
	lr =	simm.s32 $0x1  }
0x2: {  	[smem:$0x3F9D] =	sst lr;
	_ =	strace $0xD0000000  }
0x3: {  	_ = 	snop  }
0x4: {  	_ = 	snop  }
0x5: {  	_ = 	snop  }
0x6: {  	_ = 	snop  }
0x7: {  	_ = 	snop  }
__scs_overlays_trampoline_lowered:
0x8: {  	[smem:$0x3FAC] =	sst s0  }
0x9: {  	[smem:$0x3FAD] =	sst s1  }
0xa: {  	[smem:$0x3FAE] =	sst s2  }
0xb: {  	[smem:$0x3FAF] =	sst s3  }
0xc: {  	[smem:$0x3FB0] =	sst s4  }
0xd: {  	[smem:$0x3FB1] =	sst s5  }
0xe: {  	[smem:$0x3FB2] =	sst s6  }
0xf: {  	[smem:$0x3FB3] =	sst s7  }
0x10: {  	[smem:$0x3FB4] =	sst s8  }
0x11: {  	[smem:$0x3FB5] =	sst s9;
	s0 =	simm.s32 @!p0 $0x0  }
0x12: {  	s1 =	sld [smem:$0x3F9B];
	s0 =	simm.s32 @p0 $0x1  }
0x13: {  	[smem:$0x3FB6] =	sst s0;
	s0 =	simm.s32 @!p1 $0x0  }
0x14: {  	s2 =	sld [smem:$0x3F9A];
	s0 =	simm.s32 @p1 $0x1  }
0x15: {  	[smem:$0x3FB7] =	sst s0;
	s0 =	simm.s32 @!p2 $0x0  }
0x16: {  	s3 =	sld [smem:$0x3FDB];
	s0 =	simm.s32 @p2 $0x1  }
0x17: {  	s4 =	simm.s32 $0x1BF5;
	[smem:$0x3FB9] =	sst s0  }
0x18: {  	s0 =	sld [smem:$0x3F9C];
	_ =	swait.ge [sflag:s4], $0x0  }
0x19: {  	s7 =	sld [smem:$0x3F9D]  }
0x1a: {  	s8 =	sadd.s32 $0xFFFFE003, lr  }
0x1b: {  	s9 =	sadd.s32 $0xFFFFFEF7, lr;
	s5 =	simm.s32 $0xFFFFFFFF;
	p2 =	slt.u32 s8, $0xFFFFF086  }
0x1c: {  	p1 =	slt.u32 s9, $0xF7A;
	s5 =	simm.s32 @!p2 $0x0  }
0x1d: {  	s5 =	simm.s32 @p1 $0x1;
	p0 =	seq.s32 s7, s2  }
0x1e: {  	s7 =	smul.u32 @!p0 $0xF7A, s2;
	p2 =	seq.s32 @!p0 s5, $0x0  }
0x1f: {  	s9 =	smul.u32 $0xF7A, s1;
	s8 =	simm.s32 @!p0 $0x1BF5;
	p2 =	por !p2, p0  }
0x20: {  	[sflag:s8] =	ssyncset.s32 @!p0 $0xFFFFF086;
	s6 =	sadd.s32 @!p0 s3, s7;
	s7 =	simm.s32 @!p0 $0x108  }
0x21: {  	s3 =	sadd.s32 s3, s9;
	s6 =	sadd.s32 @!p0 $0x88, s6;
	s7 =	simm.s32 @p2 $0x1082  }
0x22: {  	[simem:s7], [sflag:s8] =	dma.local @!p0 [hbm:s6], $0xF7A  }
0x23: {  	s9 =	sor.u32 $0xD0000000, s2;
	s6 =	simm.s32 $0x108;
	_ =	swait.ge @!p0 [sflag:s8], $0x0  }
0x24: {  	s3 =	sadd.s32 $0x88, s3;
	s6 =	simm.s32 @!p1 $0x1082;
	[sflag:s4] =	ssyncset.s32 $0xFFFFF086  }
0x25: {  	[simem:s6], [sflag:s4] =	dma.local [hbm:s3], $0xF7A  }
0x26: {  	[smem:$0x3F9D] =	sst s1;
	(tag) =	ssettag s2;
	_ =	strace s9  }
0x27: {  	s1 =	sld [smem:$0x3FAD]  }
0x28: {  	s2 =	sld [smem:$0x3FAE]  }
0x29: {  	s4 =	sld [smem:$0x3FB0]  }
0x2a: {  	p0 =	seq.s32 s5, $0x0;
	s5 =	sld [smem:$0x3FB1]  }
0x2b: {  	s6 =	sld [smem:$0x3FB2]  }
0x2c: {  	s7 =	sld [smem:$0x3FB3]  }
0x2d: {  	s3 =	simm.s32 $0x108;
	s8 =	sld [smem:$0x3FB4]  }
0x2e: {  	s3 =	simm.s32 @!p0 $0x1082;
	s9 =	sld [smem:$0x3FB5]  }
0x2f: {  	lr =	sadd.s32 s0, s3;
	s0 =	sld [smem:$0x3FAC]  }
0x30: {  	s3 =	sld [smem:$0x3FAF]  }
0x31: {  	[smem:$0x3FB8] =	sst s10  }
0x32: {  	s10 =	sld [smem:$0x3FB6];
	_ =	sdelay $0x3  }
0x33: {  	p0 =	seq.s32 s10, $0x1;
	s10 =	sld [smem:$0x3FB8];
	_ =	sdelay $0x3  }
0x34: {  	[smem:$0x3FB8] =	sst s10  }
0x35: {  	s10 =	sld [smem:$0x3FB7];
	_ =	sdelay $0x3  }
0x36: {  	p1 =	seq.s32 s10, $0x1;
	s10 =	sld [smem:$0x3FB8];
	_ =	sdelay $0x3  }
0x37: {  	[smem:$0x3FB8] =	sst s10  }
0x38: {  	s10 =	sld [smem:$0x3FB9]  }
0x39: {  	_ = 	snop;
	(pc) =	sbr.ind lr, $3  }
0x3a: {  	_ = 	snop  }
0x3b: {  	_ = 	snop  }
0x3c: {  	p2 =	seq.s32 s10, $0x1;
	s10 =	sld [smem:$0x3FB8]  }
0x3d: {  	_ =	shalt  }
0x3e: {  	_ =	shalt  }
0x3f: {  	_ =	shalt  }
0x40: {  	_ =	shalt  }
0x41: {  	_ =	shalt  }
0x42: {  	_ =	shalt  }
0x43: {  	_ =	shalt  }
0x44: {  	_ =	shalt  }
0x45: {  	_ =	shalt  }
0x46: {  	_ =	shalt  }
0x47: {  	_ =	shalt  }
0x48: {  	_ =	shalt  }
0x49: {  	_ =	shalt  }
0x4a: {  	_ =	shalt  }
0x4b: {  	_ =	shalt  }
0x4c: {  	_ =	shalt  }
0x4d: {  	_ =	shalt  }
0x4e: {  	_ =	shalt  }
0x4f: {  	_ =	shalt  }
0x50: {  	_ =	shalt  }
0x51: {  	_ =	shalt  }
0x52: {  	_ =	shalt  }
0x53: {  	_ =	shalt  }
0x54: {  	_ =	shalt  }
0x55: {  	_ =	shalt  }
0x56: {  	_ =	shalt  }
0x57: {  	_ =	shalt  }
0x58: {  	_ =	shalt  }
0x59: {  	_ =	shalt  }
0x5a: {  	_ =	shalt  }
0x5b: {  	_ =	shalt  }
0x5c: {  	_ =	shalt  }
0x5d: {  	_ =	shalt  }
0x5e: {  	_ =	shalt  }
0x5f: {  	_ =	shalt  }
0x60: {  	_ =	shalt  }
0x61: {  	_ =	shalt  }
0x62: {  	_ =	shalt  }
0x63: {  	_ =	shalt  }
0x64: {  	_ =	shalt  }
0x65: {  	_ =	shalt  }
0x66: {  	_ =	shalt  }
0x67: {  	_ =	shalt  }
0x68: {  	_ =	shalt  }
0x69: {  	_ =	shalt  }
0x6a: {  	_ =	shalt  }
0x6b: {  	_ =	shalt  }
0x6c: {  	_ =	shalt  }
0x6d: {  	_ =	shalt  }
0x6e: {  	_ =	shalt  }
0x6f: {  	_ =	shalt  }
0x70: {  	_ =	shalt  }
0x71: {  	_ =	shalt  }
0x72: {  	_ =	shalt  }
0x73: {  	_ =	shalt  }
0x74: {  	_ =	shalt  }
0x75: {  	_ =	shalt  }
0x76: {  	_ =	shalt  }
0x77: {  	_ =	shalt  }
0x78: {  	_ =	shalt  }
0x79: {  	_ =	shalt  }
0x7a: {  	_ =	shalt  }
0x7b: {  	_ =	shalt  }
0x7c: {  	_ =	shalt  }
0x7d: {  	_ =	shalt  }
0x7e: {  	_ =	shalt  }
0x7f: {  	_ =	shalt  }
0x80: {  	_ =	shalt  }
0x81: {  	_ =	shalt  }
0x82: {  	_ =	shalt  }
0x83: {  	_ =	shalt  }
0x84: {  	_ =	shalt  }
0x85: {  	_ =	shalt  }
0x86: {  	_ =	shalt  }
0x87: {  	_ =	shalt  }
.Lfunc_end0:
.L_simem_size_0:
called_computation_lowered:
.L_overlay_start_0:
0x88: {  	s2 =	sld [smem:$0x3FD9]  }
0x89: {  	s3 =	sld [smem:$0x3FFE];
	_ =	sdelay $0x1  }
0x8a: {  	s1 =	srdreg.scid  }
0x8b: {  	s0 =	sand.u32 $0x1, s1  }
0x8c: {  	s14 =	sshll.u32 s0, $0xA;
	s2 =	sadd.s32 s3, s2  }
0x8d: {  	s2 =	sadd.s32 s2, s14  }
0x8e: {  	[smem:$0x3FC4] =	sst s2  }
0x8f: {  	_ = 	snop  }
0x90: {  	s2 =	sld [smem:$0x3FD0];
	_ =	sdelay $0x2  }
0x91: {  	s15 =	simm.s32 $0xA;
	s4 =	simm.s32 $0x10  }
0x92: {  	[smem:s4], [sflag:s15] =	dma.local [hbm:s2], $0x1  }
0x93: {  	_ =	swait.eq [sflag:s15], $0x1  }
0x94: {  	[sflag:s15] =	ssyncset.done $0x0  }
0x95: {  	[sflag:s15] =	ssyncadd.s32 $0xFFFFFFFF  }
0x96: {  	s16 =	sld [smem:$0x11];
	(tm) =	ssettm $0x1  }
0x97: {  	s17 =	sld [smem:$0x3FFB];
	_ =	sdelay $0x3  }
0x98: {  	_ =	strace s17  }
0x99: {  	s3 =	sld [smem:$0x3FFC];
	_ =	sdelay $0x3  }
0x9a: {  	_ =	strace s3  }
0x9b: {  	s3 =	sld [smem:$0x3FFD];
	_ =	sdelay $0x3  }
0x9c: {  	_ =	strace s3  }
0x9d: {  	_ =	strace $0x8FFFFFFF  }
0x9e: {  	s18 =	sld [smem:$0x3FDB];
	_ =	sdelay $0x1  }
0x9f: {  	s19 =	simm.s32 $_scs_section_size  }
0xa0: {  	s5 =	simm.s32 $_size__tile_overlayer_lowered;
	s6 =	simm.s32 $_tile_overlayer_lowered  }
0xa1: {  	s22 =	simm.s32 $0x1BFF;
	s21 =	sshll.u32 s6, $0x1;
	s3 =	sadd.s32 s19, s18  }
0xa2: {  	s7 =	simm.s32 $0x0;
	s20 =	sshll.u32 s5, $0x1;
	s5 =	sadd.s32 s21, s3  }
0xa3: {  	[timem:s7], [sflag:s22] =	dma.local [hbm:s5], s20  }
0xa4: {  	_ =	swait.ge [sflag:s22], s20  }
0xa5: {  	s4 =	ssub.s32 $0x0, s20;
	[sflag:s22] =	ssyncset.done $0x0  }
0xa6: {  	[sflag:s22] =	ssyncadd.s32 s4;
	_ =	sdelay $0x1  }
0xa7: {  	s23 =	simm.s32 $0x1B8B  }
0xa8: {  	_ =	swait.ge [sflag:s23], $0x1  }
0xa9: {  	[sflag:s23] =	ssyncset.done $0x0  }
0xaa: {  	s25 =	simm.s32 $0x1B8E;
	s24 =	sld [smem:$0x3FFE];
	[sflag:s23] =	ssyncadd.s32 $0xFFFFFFFF  }
0xab: {  	s26 =	simm.s32 $execute0_lowered;
	[smem:$0x3FD2] =	sst s25  }
0xac: {  	s5 =	sshll.u32 s26, $0x1;
	_ =	strace $0x80000046;
	[dreg:$0x1] =	wrdreg $0xFFFFFFFF  }
0xad: {  	s28 =	simm.s32 $_size_execute0_lowered;
	s3 =	sadd.s32 s3, s5;
	[dreg:$0x0] =	wrdreg $0x0  }
0xae: {  	s5 =	sshll.u32 s28, $0x1;
	[dreg:$0x2] =	wrdreg s3  }
0xaf: {  	[dreg:$0x3] =	wrdreg s5  }
0xb0: {  	[dreg:$0x4] =	wrdreg $0xC0  }
0xb1: {  	_ =	task [dreg:s7], $0x5FFFF  }
0xb2: {  	[dreg:$0x1] =	wrdreg $0xFFFFFFFF  }
0xb3: {  	[dreg:$0x0] =	wrdreg $0x60  }
0xb4: {  	[dreg:$0x2] =	wrdreg s24  }
0xb5: {  	[dreg:$0x3] =	wrdreg s16  }
0xb6: {  	[dreg:$0x4] =	wrdreg $0x88000  }
0xb7: {  	[dreg:$0x5] =	wrdreg $0x9  }
0xb8: {  	_ =	task.clear_ibuf [dreg:s7], $0x6FFFF;
	_ =	strace $0x90000046  }
0xb9: {  	s29 =	simm.s32 $0x9;
	_ =	strace $0x80000048  }
0xba: {  	_ =	swait.ge [sflag:s29], $0x1  }
0xbb: {  	[sflag:s29] =	ssyncadd.s32 $0xFFFFFFFF  }
0xbc: {  	_ =	strace $0x90000048  }
0xbd: {  	_ =	sfence  }
0xbe: {  	s30 =	sld [smem:$0x0];
	_ =	sdelay $0x2  }
0xbf: {  	s31 =	sshll.u32 s1, $0xD;
	s1 =	sshrl.u32 s1, $0x2  }
0xc0: {  	s3 =	sand.u32 $0x4000, s31;
	s1 =	sadd.s32 s1, s30  }
0xc1: {  	s0 =	sor.u32 s3, s0;
	s1 =	sshll.u32 s1, $0x11  }
0xc2: {  	s0 =	sor.u32 s1, s0  }
0xc3: {  	s0 =	sadd.s32 $0x8F2B, s0  }
0xc4: {  	[sflag:s0] =	ssyncadd.remote.s32 $0x1  }
0xc5: {  	_ =	sfence.sel $0xFFFF  }
0xc6: {  	[dreg:$0x0] =	wrdreg $0xFFFFFFFF;
	(pc) =	sbr.abs _section_cstart, $3  }
0xc7: {  	[dreg:$0x1] =	wrdreg $0xFFFFFFFF  }
0xc8: {  	_ =	task.clear_ibuf [dreg:s7], $0x2FFFF;
	_ =	strace $0x9FFFFFFF  }
0xc9: {  	(tm) =	ssettm $0x7FFFFFFF  }
tec
execute0_lowered:
.L_overlay_start_1:
0x0: {  	(tag) =	ssettag $0x1  }
0x1: {  	s6 =	rddreg [dreg:$0x0];
	s0 =	srdreg.scid  }
0x2: {  	s1 =	rddreg [dreg:$0x1];
	s3 =	stileid.u32;
	s31 =	sand.u32 $0x1, s0  }
0x3: {  	[dreg:$0x4] =	wrdreg s1;
	s2 =	sshll.u32 s3, $0xB;
	s0 =	sshll.u32 s31, $0xF  }
0x4: {  	s1 =	rddreg [dreg:$0x2];
	s4 =	sor.u32 s2, s0;
	s2 =	simm.s32 $0x0  }
0x5: {  	s5 =	sshrl.u32 s4, $0x3;
	[smem:$0x7FF] =	sst s2  }
0x6: {  	s4 =	sshll.u32 s4, $0x4;
	s5 =	sadd.s32 s5, s6;
	_ =	strace $0x80000047  }
0x7: {  	s26 =	sadd.s32 s4, s6;
	s20 =	sadd.s32 $0x1200, s5;
	s6 =	rddreg [dreg:$0x4]  }
0x8: {  	s21 =	sadd.s32 $0x101200, s26;
	[dreg:$0x5] =	wrdreg s20  }
0x9: {  	s22 =	sadd.s32 $0x102200, s26;
	[dreg:$0x6] =	wrdreg s21  }
0xa: {  	p0 =	sne.s32 s3, $0x0;
	s23 =	sadd.s32 $0x103200, s26;
	[dreg:$0x7] =	wrdreg s22  }
0xb: {  	s3 =	simm.s32 @!p0 $0x1;
	s24 =	sadd.s32 $0x104200, s26;
	[dreg:$0x8] =	wrdreg s23  }
0xc: {  	s4 =	sshrl.u32 @!p0 s1, $0x3;
	s5 =	simm.s32 @!p0 $0x1C01;
	[dreg:$0x9] =	wrdreg s24  }
0xd: {  	[spmem:s4], [sflag:s5] =	dma.local @!p0 [hbm:s6], $0x2F80  }
0xe: {  	_ =	swait.ge @!p0 [sflag:s3], $0x2F80  }
0xf: {  	s7 =	simm.s32 $0x1;
	[sflag:s3] =	ssyncset.done @!p0 $0x0  }
0x10: {  	s6 =	simm.s32 $0x8000;
	s8 =	rddreg [dreg:$0x5];
	[sflag:s3] =	ssyncadd.s32 @!p0 $0xFFFFD080  }
0x11: {  	[tilespmem:s6], [sflag:$0x1] =	stream.linear.gather [hbm4b:s8+s2], $0x800, $0x38;
	[tilespmem:$0x93E0] =	vst v63  }
0x12: {  	_ =	swait.ge [sflag:s7], $0x800  }
0x13: {  	[sflag:s7] =	ssyncset.done $0x0  }
0x14: {  	[sflag:s7] =	ssyncadd.s32 $0xFFFFF800  }
0x15: {  	[bflag:$0x0] =	sbarrier.arrive $0xFFFF  }
0x16: {  	s25 =	rddreg [dreg:$0x6]  }
0x17: {  	[tilespmem:s2], [sflag:$0x1] =	stream.linear.gather [hbm4b:s25+s2], $0x8000, $0x38;
	[tilespmem:$0x93E0] =	vst v63  }
0x18: {  	_ =	swait.ge [sflag:s7], $0x8000  }
0x19: {  	[sflag:s7] =	ssyncset.done $0x0  }
0x1a: {  	s8 =	simm.s32 $0x80;
	[sflag:s7] =	ssyncadd.s32 $0xFFFF8000  }
0x1b: {  	[spmem:s1] =	stream.indirect.scatter.add.f32 [tilespmem:s2], [sflag:$0x1], $0x40, s6, s8, $0xb8;
	[tilespmem:$0x93E0] =	vst v63  }
0x1c: {  	_ =	swait.ge [sflag:s7], $0x2000  }
0x1d: {  	[sflag:s7] =	ssyncset.done $0x0  }
0x1e: {  	s9 =	simm.s32 $0x8080;
	s10 =	simm.s32 $0x4000;
	[sflag:s7] =	ssyncadd.s32 $0xFFFFE000  }
0x1f: {  	[spmem:s1] =	stream.indirect.scatter.add.f32 [tilespmem:s10], [sflag:$0x1], $0x40, s9, s8, $0xb8;
	[tilespmem:$0x93E0] =	vst v63  }
0x20: {  	_ =	swait.ge [sflag:s7], $0x2000  }
0x21: {  	[sflag:s7] =	ssyncset.done $0x0  }
0x22: {  	s11 =	rddreg [dreg:$0x7];
	[sflag:s7] =	ssyncadd.s32 $0xFFFFE000  }
0x23: {  	[tilespmem:s2], [sflag:$0x1] =	stream.linear.gather [hbm4b:s11+s2], $0x8000, $0x38;
	[tilespmem:$0x93E0] =	vst v63  }
0x24: {  	_ =	swait.ge [sflag:s7], $0x8000  }
0x25: {  	[sflag:s7] =	ssyncset.done $0x0  }
0x26: {  	s11 =	simm.s32 $0x8100;
	[sflag:s7] =	ssyncadd.s32 $0xFFFF8000  }
0x27: {  	[spmem:s1] =	stream.indirect.scatter.add.f32 [tilespmem:s2], [sflag:$0x1], $0x40, s11, s8, $0xb8;
	[tilespmem:$0x93E0] =	vst v63  }
0x28: {  	_ =	swait.ge [sflag:s7], $0x2000  }
0x29: {  	[sflag:s7] =	ssyncset.done $0x0  }
0x2a: {  	s12 =	simm.s32 $0x8180;
	[sflag:s7] =	ssyncadd.s32 $0xFFFFE000  }
0x2b: {  	[spmem:s1] =	stream.indirect.scatter.add.f32 [tilespmem:s10], [sflag:$0x1], $0x40, s12, s8, $0xb8;
	[tilespmem:$0x93E0] =	vst v63  }
0x2c: {  	_ =	swait.ge [sflag:s7], $0x2000  }
0x2d: {  	[sflag:s7] =	ssyncset.done $0x0  }
0x2e: {  	s13 =	rddreg [dreg:$0x8];
	[sflag:s7] =	ssyncadd.s32 $0xFFFFE000  }
0x2f: {  	[tilespmem:s2], [sflag:$0x1] =	stream.linear.gather [hbm4b:s13+s2], $0x8000, $0x38;
	[tilespmem:$0x93E0] =	vst v63  }
0x30: {  	_ =	swait.ge [sflag:s7], $0x8000  }
0x31: {  	[sflag:s7] =	ssyncset.done $0x0  }
0x32: {  	s13 =	simm.s32 $0x8200;
	[sflag:s7] =	ssyncadd.s32 $0xFFFF8000  }
0x33: {  	[spmem:s1] =	stream.indirect.scatter.add.f32 [tilespmem:s2], [sflag:$0x1], $0x40, s13, s8, $0xb8;
	[tilespmem:$0x93E0] =	vst v63  }
0x34: {  	_ =	swait.ge [sflag:s7], $0x2000  }
0x35: {  	[sflag:s7] =	ssyncset.done $0x0  }
0x36: {  	s14 =	simm.s32 $0x8280;
	[sflag:s7] =	ssyncadd.s32 $0xFFFFE000  }
0x37: {  	[spmem:s1] =	stream.indirect.scatter.add.f32 [tilespmem:s10], [sflag:$0x1], $0x40, s14, s8, $0xb8;
	[tilespmem:$0x93E0] =	vst v63  }
0x38: {  	_ =	swait.ge [sflag:s7], $0x2000  }
0x39: {  	[sflag:s7] =	ssyncset.done $0x0  }
0x3a: {  	s15 =	rddreg [dreg:$0x9];
	[sflag:s7] =	ssyncadd.s32 $0xFFFFE000  }
0x3b: {  	[tilespmem:s2], [sflag:$0x1] =	stream.linear.gather [hbm4b:s15+s2], $0x8000, $0x38;
	[tilespmem:$0x93E0] =	vst v63  }
0x3c: {  	_ =	swait.ge [sflag:s7], $0x8000  }
0x3d: {  	[sflag:s7] =	ssyncset.done $0x0  }
0x3e: {  	s15 =	simm.s32 $0x8300;
	[sflag:s7] =	ssyncadd.s32 $0xFFFF8000  }
0x3f: {  	[spmem:s1] =	stream.indirect.scatter.add.f32 [tilespmem:s2], [sflag:$0x1], $0x40, s15, s8, $0xb8;
	[tilespmem:$0x93E0] =	vst v63  }
0x40: {  	_ =	swait.ge [sflag:s7], $0x2000  }
0x41: {  	[sflag:s7] =	ssyncset.done $0x0  }
0x42: {  	s16 =	simm.s32 $0x8380;
	[sflag:s7] =	ssyncadd.s32 $0xFFFFE000  }
0x43: {  	[spmem:s1] =	stream.indirect.scatter.add.f32 [tilespmem:s10], [sflag:$0x1], $0x40, s16, s8, $0xb8;
	[tilespmem:$0x93E0] =	vst v63  }
0x44: {  	_ =	swait.ge [sflag:s7], $0x2000  }
0x45: {  	[sflag:s7] =	ssyncset.done $0x0  }
0x46: {  	s17 =	sadd.s32 $0x105200, s26;
	[sflag:s7] =	ssyncadd.s32 $0xFFFFE000  }
0x47: {  	[tilespmem:s2], [sflag:$0x1] =	stream.linear.gather [hbm4b:s17+s2], $0x8000, $0x38;
	[tilespmem:$0x93E0] =	vst v63  }
0x48: {  	_ =	swait.ge [sflag:s7], $0x8000  }
0x49: {  	[sflag:s7] =	ssyncset.done $0x0  }
0x4a: {  	s18 =	simm.s32 $0x8400;
	[sflag:s7] =	ssyncadd.s32 $0xFFFF8000  }
0x4b: {  	[spmem:s1] =	stream.indirect.scatter.add.f32 [tilespmem:s2], [sflag:$0x1], $0x40, s18, s8, $0xb8;
	[tilespmem:$0x93E0] =	vst v63  }
0x4c: {  	_ =	swait.ge [sflag:s7], $0x2000  }
0x4d: {  	[sflag:s7] =	ssyncset.done $0x0  }
0x4e: {  	s19 =	simm.s32 $0x8480;
	[sflag:s7] =	ssyncadd.s32 $0xFFFFE000  }
0x4f: {  	[spmem:s1] =	stream.indirect.scatter.add.f32 [tilespmem:s10], [sflag:$0x1], $0x40, s19, s8, $0xb8;
	[tilespmem:$0x93E0] =	vst v63  }
0x50: {  	_ =	swait.ge [sflag:s7], $0x2000  }
0x51: {  	[sflag:s7] =	ssyncset.done $0x0  }
0x52: {  	s20 =	sadd.s32 $0x106200, s26;
	[sflag:s7] =	ssyncadd.s32 $0xFFFFE000  }
0x53: {  	[tilespmem:s2], [sflag:$0x1] =	stream.linear.gather [hbm4b:s20+s2], $0x8000, $0x38;
	[tilespmem:$0x93E0] =	vst v63  }
0x54: {  	_ =	swait.ge [sflag:s7], $0x8000  }
0x55: {  	[sflag:s7] =	ssyncset.done $0x0  }
0x56: {  	s21 =	simm.s32 $0x8500;
	[sflag:s7] =	ssyncadd.s32 $0xFFFF8000  }
0x57: {  	[spmem:s1] =	stream.indirect.scatter.add.f32 [tilespmem:s2], [sflag:$0x1], $0x40, s21, s8, $0xb8;
	[tilespmem:$0x93E0] =	vst v63  }
0x58: {  	_ =	swait.ge [sflag:s7], $0x2000  }
0x59: {  	[sflag:s7] =	ssyncset.done $0x0  }
0x5a: {  	s22 =	simm.s32 $0x8580;
	[sflag:s7] =	ssyncadd.s32 $0xFFFFE000  }
0x5b: {  	[spmem:s1] =	stream.indirect.scatter.add.f32 [tilespmem:s10], [sflag:$0x1], $0x40, s22, s8, $0xb8;
	[tilespmem:$0x93E0] =	vst v63  }
0x5c: {  	_ =	swait.ge [sflag:s7], $0x2000  }
0x5d: {  	[sflag:s7] =	ssyncset.done $0x0  }
0x5e: {  	s23 =	sadd.s32 $0x107200, s26;
	[sflag:s7] =	ssyncadd.s32 $0xFFFFE000  }
0x5f: {  	[tilespmem:s2], [sflag:$0x1] =	stream.linear.gather [hbm4b:s23+s2], $0x8000, $0x38;
	[tilespmem:$0x93E0] =	vst v63  }
0x60: {  	_ =	swait.ge [sflag:s7], $0x8000  }
0x61: {  	[sflag:s7] =	ssyncset.done $0x0  }
0x62: {  	s24 =	simm.s32 $0x8600;
	[sflag:s7] =	ssyncadd.s32 $0xFFFF8000  }
0x63: {  	[spmem:s1] =	stream.indirect.scatter.add.f32 [tilespmem:s2], [sflag:$0x1], $0x40, s24, s8, $0xb8;
	[tilespmem:$0x93E0] =	vst v63  }
0x64: {  	_ =	swait.ge [sflag:s7], $0x2000  }
0x65: {  	[sflag:s7] =	ssyncset.done $0x0  }
0x66: {  	s25 =	simm.s32 $0x8680;
	[sflag:s7] =	ssyncadd.s32 $0xFFFFE000  }
0x67: {  	[spmem:s1] =	stream.indirect.scatter.add.f32 [tilespmem:s10], [sflag:$0x1], $0x40, s25, s8, $0xb8;
	[tilespmem:$0x93E0] =	vst v63  }
0x68: {  	_ =	swait.ge [sflag:s7], $0x2000  }
0x69: {  	[sflag:s7] =	ssyncset.done $0x0  }
0x6a: {  	s26 =	sadd.s32 $0x108200, s26;
	[sflag:s7] =	ssyncadd.s32 $0xFFFFE000  }
0x6b: {  	[tilespmem:s2], [sflag:$0x1] =	stream.linear.gather [hbm4b:s26+s2], $0x8000, $0x38;
	[tilespmem:$0x93E0] =	vst v63  }
0x6c: {  	_ =	swait.ge [sflag:s7], $0x8000  }
0x6d: {  	[sflag:s7] =	ssyncset.done $0x0  }
0x6e: {  	s28 =	simm.s32 $0x8700;
	[sflag:s7] =	ssyncadd.s32 $0xFFFF8000  }
0x6f: {  	[spmem:s1] =	stream.indirect.scatter.add.f32 [tilespmem:s2], [sflag:$0x1], $0x40, s28, s8, $0xb8;
	[tilespmem:$0x93E0] =	vst v63  }
0x70: {  	_ =	swait.ge [sflag:s7], $0x2000  }
0x71: {  	[sflag:s7] =	ssyncset.done $0x0  }
0x72: {  	s29 =	simm.s32 $0x8780;
	s0 =	ssub.s32 $0x2, s31;
	[sflag:s7] =	ssyncadd.s32 $0xFFFFE000  }
0x73: {  	[spmem:s1] =	stream.indirect.scatter.add.f32 [tilespmem:s10], [sflag:$0x1], $0x40, s29, s8, $0xb8;
	[tilespmem:$0x93E0] =	vst v63  }
0x74: {  	s30 =	sshrl.u32 s0, $0x1;
	_ =	swait.ge [sflag:s7], $0x2000  }
0x75: {  	s31 =	smul.u32 $0x2F80, s31;
	s0 =	ssub.s32 s0, s30;
	[sflag:s7] =	ssyncset.done $0x0  }
0x76: {  	s0 =	smax.u32 s0, $0x1;
	s30 =	rddreg [dreg:$0x0]  }
0x77: {  	s30 =	sadd.s32 s31, s30;
	s31 =	sadd.s32 $0xFFFFFFFF, s0  }
0x78: {  	p1 =	sne.s32 s31, $0x0  }
.Ltmp0:
0x79: {  	_ = 	snop;
	(pc) =	sbr.rel @!p1 .LBB2_2-.Ltmp0, $4  }
0x7a: {  	[sflag:s7] =	ssyncadd.s32 $0xFFFFE000  }
0x7b: {  	[bflag:$0x0] =	sbarrier.arrive $0xFFFF;
	s30 =	sadd.s32 $0x3200, s30  }
0x7c: {  	[hbm:s30], [sflag:s5] =	dma.local @!p0 [spmem:s4], $0x2F80  }
0x7d: {  	_ =	swait.ge @!p0 [sflag:s3], $0x2F80  }
.LBB2_1:
0x7e: {  	[sflag:s3] =	ssyncset.done @!p0 $0x0  }
0x7f: {  	s0 =	rddreg [dreg:$0x4];
	[sflag:s3] =	ssyncadd.s32 @!p0 $0xFFFFD080  }
0x80: {  	[spmem:s4], [sflag:s5] =	dma.local @!p0 [hbm:s0], $0x2F80  }
0x81: {  	_ =	swait.ge @!p0 [sflag:s3], $0x2F80  }
0x82: {  	[sflag:s3] =	ssyncset.done @!p0 $0x0  }
0x83: {  	s0 =	rddreg [dreg:$0x5];
	[sflag:s3] =	ssyncadd.s32 @!p0 $0xFFFFD080  }
0x84: {  	[tilespmem:s6], [sflag:$0x1] =	stream.linear.gather [hbm4b:s0+s2], $0x800, $0x38;
	[tilespmem:$0x93E0] =	vst v63  }
0x85: {  	_ =	swait.ge [sflag:s7], $0x800  }
0x86: {  	[sflag:s7] =	ssyncset.done $0x0  }
0x87: {  	[sflag:s7] =	ssyncadd.s32 $0xFFFFF800  }
0x88: {  	[bflag:$0x0] =	sbarrier.arrive $0xFFFF  }
0x89: {  	s0 =	rddreg [dreg:$0x6]  }
0x8a: {  	[tilespmem:s2], [sflag:$0x1] =	stream.linear.gather [hbm4b:s0+s2], $0x8000, $0x38;
	[tilespmem:$0x93E0] =	vst v63  }
0x8b: {  	_ =	swait.ge [sflag:s7], $0x8000  }
0x8c: {  	[sflag:s7] =	ssyncset.done $0x0  }
0x8d: {  	[sflag:s7] =	ssyncadd.s32 $0xFFFF8000  }
0x8e: {  	[spmem:s1] =	stream.indirect.scatter.add.f32 [tilespmem:s2], [sflag:$0x1], $0x40, s6, s8, $0xb8;
	[tilespmem:$0x93E0] =	vst v63  }
0x8f: {  	_ =	swait.ge [sflag:s7], $0x2000  }
0x90: {  	[sflag:s7] =	ssyncset.done $0x0  }
0x91: {  	[sflag:s7] =	ssyncadd.s32 $0xFFFFE000  }
0x92: {  	[spmem:s1] =	stream.indirect.scatter.add.f32 [tilespmem:s10], [sflag:$0x1], $0x40, s9, s8, $0xb8;
	[tilespmem:$0x93E0] =	vst v63  }
0x93: {  	_ =	swait.ge [sflag:s7], $0x2000  }
0x94: {  	[sflag:s7] =	ssyncset.done $0x0  }
0x95: {  	s0 =	rddreg [dreg:$0x7];
	[sflag:s7] =	ssyncadd.s32 $0xFFFFE000  }
0x96: {  	[tilespmem:s2], [sflag:$0x1] =	stream.linear.gather [hbm4b:s0+s2], $0x8000, $0x38;
	[tilespmem:$0x93E0] =	vst v63  }
0x97: {  	_ =	swait.ge [sflag:s7], $0x8000  }
0x98: {  	[sflag:s7] =	ssyncset.done $0x0  }
0x99: {  	[sflag:s7] =	ssyncadd.s32 $0xFFFF8000  }
0x9a: {  	[spmem:s1] =	stream.indirect.scatter.add.f32 [tilespmem:s2], [sflag:$0x1], $0x40, s11, s8, $0xb8;
	[tilespmem:$0x93E0] =	vst v63  }
0x9b: {  	_ =	swait.ge [sflag:s7], $0x2000  }
0x9c: {  	[sflag:s7] =	ssyncset.done $0x0  }
0x9d: {  	[sflag:s7] =	ssyncadd.s32 $0xFFFFE000  }
0x9e: {  	[spmem:s1] =	stream.indirect.scatter.add.f32 [tilespmem:s10], [sflag:$0x1], $0x40, s12, s8, $0xb8;
	[tilespmem:$0x93E0] =	vst v63  }
0x9f: {  	_ =	swait.ge [sflag:s7], $0x2000  }
0xa0: {  	[sflag:s7] =	ssyncset.done $0x0  }
0xa1: {  	s0 =	rddreg [dreg:$0x8];
	[sflag:s7] =	ssyncadd.s32 $0xFFFFE000  }
0xa2: {  	[tilespmem:s2], [sflag:$0x1] =	stream.linear.gather [hbm4b:s0+s2], $0x8000, $0x38;
	[tilespmem:$0x93E0] =	vst v63  }
0xa3: {  	_ =	swait.ge [sflag:s7], $0x8000  }
0xa4: {  	[sflag:s7] =	ssyncset.done $0x0  }
0xa5: {  	[sflag:s7] =	ssyncadd.s32 $0xFFFF8000  }
0xa6: {  	[spmem:s1] =	stream.indirect.scatter.add.f32 [tilespmem:s2], [sflag:$0x1], $0x40, s13, s8, $0xb8;
	[tilespmem:$0x93E0] =	vst v63  }
0xa7: {  	_ =	swait.ge [sflag:s7], $0x2000  }
0xa8: {  	[sflag:s7] =	ssyncset.done $0x0  }
0xa9: {  	[sflag:s7] =	ssyncadd.s32 $0xFFFFE000  }
0xaa: {  	[spmem:s1] =	stream.indirect.scatter.add.f32 [tilespmem:s10], [sflag:$0x1], $0x40, s14, s8, $0xb8;
	[tilespmem:$0x93E0] =	vst v63  }
0xab: {  	_ =	swait.ge [sflag:s7], $0x2000  }
0xac: {  	[sflag:s7] =	ssyncset.done $0x0  }
0xad: {  	s0 =	rddreg [dreg:$0x9];
	[sflag:s7] =	ssyncadd.s32 $0xFFFFE000  }
0xae: {  	[tilespmem:s2], [sflag:$0x1] =	stream.linear.gather [hbm4b:s0+s2], $0x8000, $0x38;
	[tilespmem:$0x93E0] =	vst v63  }
0xaf: {  	_ =	swait.ge [sflag:s7], $0x8000  }
0xb0: {  	[sflag:s7] =	ssyncset.done $0x0  }
0xb1: {  	[sflag:s7] =	ssyncadd.s32 $0xFFFF8000  }
0xb2: {  	[spmem:s1] =	stream.indirect.scatter.add.f32 [tilespmem:s2], [sflag:$0x1], $0x40, s15, s8, $0xb8;
	[tilespmem:$0x93E0] =	vst v63  }
0xb3: {  	_ =	swait.ge [sflag:s7], $0x2000  }
0xb4: {  	[sflag:s7] =	ssyncset.done $0x0  }
0xb5: {  	[sflag:s7] =	ssyncadd.s32 $0xFFFFE000  }
0xb6: {  	[spmem:s1] =	stream.indirect.scatter.add.f32 [tilespmem:s10], [sflag:$0x1], $0x40, s16, s8, $0xb8;
	[tilespmem:$0x93E0] =	vst v63  }
0xb7: {  	_ =	swait.ge [sflag:s7], $0x2000  }
0xb8: {  	[sflag:s7] =	ssyncset.done $0x0  }
0xb9: {  	[sflag:s7] =	ssyncadd.s32 $0xFFFFE000  }
0xba: {  	[tilespmem:s2], [sflag:$0x1] =	stream.linear.gather [hbm4b:s17+s2], $0x8000, $0x38;
	[tilespmem:$0x93E0] =	vst v63  }
0xbb: {  	_ =	swait.ge [sflag:s7], $0x8000  }
0xbc: {  	[sflag:s7] =	ssyncset.done $0x0  }
0xbd: {  	[sflag:s7] =	ssyncadd.s32 $0xFFFF8000  }
0xbe: {  	[spmem:s1] =	stream.indirect.scatter.add.f32 [tilespmem:s2], [sflag:$0x1], $0x40, s18, s8, $0xb8;
	[tilespmem:$0x93E0] =	vst v63  }
0xbf: {  	_ =	swait.ge [sflag:s7], $0x2000  }
0xc0: {  	[sflag:s7] =	ssyncset.done $0x0  }
0xc1: {  	[sflag:s7] =	ssyncadd.s32 $0xFFFFE000  }
0xc2: {  	[spmem:s1] =	stream.indirect.scatter.add.f32 [tilespmem:s10], [sflag:$0x1], $0x40, s19, s8, $0xb8;
	[tilespmem:$0x93E0] =	vst v63  }
0xc3: {  	_ =	swait.ge [sflag:s7], $0x2000  }
0xc4: {  	[sflag:s7] =	ssyncset.done $0x0  }
0xc5: {  	[sflag:s7] =	ssyncadd.s32 $0xFFFFE000  }
0xc6: {  	[tilespmem:s2], [sflag:$0x1] =	stream.linear.gather [hbm4b:s20+s2], $0x8000, $0x38;
	[tilespmem:$0x93E0] =	vst v63  }
0xc7: {  	_ =	swait.ge [sflag:s7], $0x8000  }
0xc8: {  	[sflag:s7] =	ssyncset.done $0x0  }
0xc9: {  	[sflag:s7] =	ssyncadd.s32 $0xFFFF8000  }
0xca: {  	[spmem:s1] =	stream.indirect.scatter.add.f32 [tilespmem:s2], [sflag:$0x1], $0x40, s21, s8, $0xb8;
	[tilespmem:$0x93E0] =	vst v63  }
0xcb: {  	_ =	swait.ge [sflag:s7], $0x2000  }
0xcc: {  	[sflag:s7] =	ssyncset.done $0x0  }
0xcd: {  	[sflag:s7] =	ssyncadd.s32 $0xFFFFE000  }
0xce: {  	[spmem:s1] =	stream.indirect.scatter.add.f32 [tilespmem:s10], [sflag:$0x1], $0x40, s22, s8, $0xb8;
	[tilespmem:$0x93E0] =	vst v63  }
0xcf: {  	_ =	swait.ge [sflag:s7], $0x2000  }
0xd0: {  	[sflag:s7] =	ssyncset.done $0x0  }
0xd1: {  	[sflag:s7] =	ssyncadd.s32 $0xFFFFE000  }
0xd2: {  	[tilespmem:s2], [sflag:$0x1] =	stream.linear.gather [hbm4b:s23+s2], $0x8000, $0x38;
	[tilespmem:$0x93E0] =	vst v63  }
0xd3: {  	_ =	swait.ge [sflag:s7], $0x8000  }
0xd4: {  	[sflag:s7] =	ssyncset.done $0x0  }
0xd5: {  	[sflag:s7] =	ssyncadd.s32 $0xFFFF8000  }
0xd6: {  	[spmem:s1] =	stream.indirect.scatter.add.f32 [tilespmem:s2], [sflag:$0x1], $0x40, s24, s8, $0xb8;
	[tilespmem:$0x93E0] =	vst v63  }
0xd7: {  	_ =	swait.ge [sflag:s7], $0x2000  }
0xd8: {  	[sflag:s7] =	ssyncset.done $0x0  }
0xd9: {  	[sflag:s7] =	ssyncadd.s32 $0xFFFFE000  }
0xda: {  	[spmem:s1] =	stream.indirect.scatter.add.f32 [tilespmem:s10], [sflag:$0x1], $0x40, s25, s8, $0xb8;
	[tilespmem:$0x93E0] =	vst v63  }
0xdb: {  	_ =	swait.ge [sflag:s7], $0x2000  }
0xdc: {  	[sflag:s7] =	ssyncset.done $0x0  }
0xdd: {  	[sflag:s7] =	ssyncadd.s32 $0xFFFFE000  }
0xde: {  	[tilespmem:s2], [sflag:$0x1] =	stream.linear.gather [hbm4b:s26+s2], $0x8000, $0x38;
	[tilespmem:$0x93E0] =	vst v63  }
0xdf: {  	_ =	swait.ge [sflag:s7], $0x8000  }
0xe0: {  	[sflag:s7] =	ssyncset.done $0x0  }
0xe1: {  	[sflag:s7] =	ssyncadd.s32 $0xFFFF8000  }
0xe2: {  	[spmem:s1] =	stream.indirect.scatter.add.f32 [tilespmem:s2], [sflag:$0x1], $0x40, s28, s8, $0xb8;
	[tilespmem:$0x93E0] =	vst v63  }
0xe3: {  	_ =	swait.ge [sflag:s7], $0x2000  }
0xe4: {  	[sflag:s7] =	ssyncset.done $0x0  }
0xe5: {  	s31 =	sadd.s32 $0xFFFFFFFF, s31;
	[sflag:s7] =	ssyncadd.s32 $0xFFFFE000  }
0xe6: {  	[spmem:s1] =	stream.indirect.scatter.add.f32 [tilespmem:s10], [sflag:$0x1], $0x40, s29, s8, $0xb8;
	[tilespmem:$0x93E0] =	vst v63  }
0xe7: {  	p1 =	sne.s32 s31, $0x0;
	_ =	swait.ge [sflag:s7], $0x2000  }
.Ltmp1:
0xe8: {  	[sflag:s7] =	ssyncset.done $0x0;
	(pc) =	sbr.rel @p1 .LBB2_1-.Ltmp1, $4  }
0xe9: {  	[sflag:s7] =	ssyncadd.s32 $0xFFFFE000  }
0xea: {  	[bflag:$0x0] =	sbarrier.arrive $0xFFFF  }
0xeb: {  	[hbm:s30], [sflag:s5] =	dma.local @!p0 [spmem:s4], $0x2F80  }
0xec: {  	_ =	swait.ge @!p0 [sflag:s3], $0x2F80  }
.LBB2_2:
0xed: {  	[sflag:s3] =	ssyncset.done @!p0 $0x0  }
0xee: {  	[sflag:s3] =	ssyncadd.s32 @!p0 $0xFFFFD080  }
0xef: {  	_ =	sfence.sel $0x180000  }
0xf0: {  	[bflag:$0x0] =	sbarrier.arrive $0xFFFF  }
0xf1: {  	_ =	strace $0x90000047  }
0xf2: {  	[bflag:$0x2] =	sbarrier.arrive $0xFFFF  }
0xf3: {  	s0 =	rddreg [dreg:$0x3]  }
0xf4: {  	s0 =	sadd.s32 @!p0 $0x100000, s0  }
0xf5: {  	[sflag:s0] =	ssyncadd.tile.s32 @!p0 $0x1;
	_ =	shalt  }
.Lfunc_end2:
_tile_overlayer_lowered:
.L_overlay_start_2:
0xf6: {  	(tag) =	ssettag $0x2  }
0xf7: {  	s0 =	rddreg [dreg:$0x0];
	s2 =	stileid.u32  }
0xf8: {  	s1 =	rddreg [dreg:$0x1];
	p0 =	sne.s32 s2, $0x0  }
0xf9: {  	s3 =	rddreg [dreg:$0x2];
	[bflag:$0x3] =	sbarrier.arrive $0xFFFF;
	s2 =	simm.s32 @!p0 $0x1C01  }
0xfa: {  	[timem:s3], [sflag:s2] =	dma.local @!p0 [hbm:s0], s1  }
0xfb: {  	s0 =	simm.s32 @!p0 $0x1  }
0xfc: {  	_ =	swait.ge @!p0 [sflag:s0], s1  }
0xfd: {  	s1 =	ssub.s32 @!p0 $0x0, s1;
	[sflag:s0] =	ssyncset.done @!p0 $0x0  }
0xfe: {  	[sflag:s0] =	ssyncadd.s32 @!p0 s1  }
0xff: {  	[bflag:$0x3] =	sbarrier.arrive $0xFFFF  }
0x100: {  	_ =	shalt  }

</sc_bundles>
